<compile_context>
chip_gen: v7x
topology: tpu7x:2x2x1
jax: 0.10.2.dev20260603
libtpu: 0.0.44.dev20260713+nightly
codegen_flags: <defaults>
</compile_context>

<pallas_src>
import jax
import jax.numpy as jnp
from jax import lax
from jax.experimental import pallas as pl
from jax.experimental.pallas import tpu as pltpu
from jax.experimental.pallas import tpu_sc as plsc

N_CORES = 2
N_SUBCORES = 16
N_WORKERS = N_CORES * N_SUBCORES
CHUNK_ROWS = 32


def _sc_bcast(w_hbm, out_hbm, buf0, buf1, in_sem, out_sem):
    batch = out_hbm.shape[0]
    seq_len = out_hbm.shape[1]
    wid = lax.axis_index("s") * N_CORES + lax.axis_index("c")
    rows_per_w = seq_len // N_WORKERS
    n_chunks = rows_per_w // CHUNK_ROWS
    base0 = wid * rows_per_w
    bufs = [buf0, buf1]

    def src(c):
        return w_hbm.at[pl.ds(base0 + c * CHUNK_ROWS, CHUNK_ROWS)]

    def dst(c, b):
        return out_hbm.at[b, pl.ds(base0 + c * CHUNK_ROWS, CHUNK_ROWS)]

    pltpu.async_copy(src(0), bufs[0], in_sem)
    for c in range(n_chunks):
        cur = bufs[c % 2]
        nxt = bufs[(c + 1) % 2]
        pltpu.make_async_copy(src(c), cur, in_sem).wait()
        if c >= 1:
            for b in range(batch):
                pltpu.make_async_copy(nxt, dst(c - 1, b), out_sem).wait()
        if c + 1 < n_chunks:
            pltpu.async_copy(src(c + 1), nxt, in_sem)
        for b in range(batch):
            pltpu.async_copy(cur, dst(c, b), out_sem)
    last = bufs[(n_chunks - 1) % 2]
    for b in range(batch):
        pltpu.make_async_copy(last, dst(n_chunks - 1, b), out_sem).wait()


def kernel(tokens, W_pos):
    batch, seq_len = tokens.shape
    d = W_pos.shape[1]
    mesh = plsc.VectorSubcoreMesh(core_axis_name="c", subcore_axis_name="s")
    k = pl.kernel(
        _sc_bcast,
        mesh=mesh,
        out_type=jax.ShapeDtypeStruct((batch, seq_len, d), W_pos.dtype),
        scratch_types=[
            pltpu.VMEM((CHUNK_ROWS, d), W_pos.dtype),
            pltpu.VMEM((CHUNK_ROWS, d), W_pos.dtype),
            pltpu.SemaphoreType.DMA,
            pltpu.SemaphoreType.DMA,
        ],
    )
    return k(W_pos[:seq_len])

# --- scband reference (transcript-rebuilt; emitter-appended) ---
"""Pipeline reference for scband-pos-embed-6236292514474 (READ-ONLY COPY).

The authoritative reference and input builder live on the scoring server;
editing this copy changes nothing except your own understanding.
"""

import jax, jax.numpy as jnp
import numpy as np

N_CTX = 8192
D_MODEL = 1024
BATCH = 4
SEQ = 8192

def setup_inputs(seed: int = 0) -> dict:
    key = jax.random.key(seed)
    k1, k2 = jax.random.split(key)
    tokens = jax.random.randint(k1, (BATCH, SEQ), 0, 50257, dtype=jnp.int64 if jax.config.jax_enable_x64 else jnp.int32)
    W_pos = jax.random.normal(k2, (N_CTX, D_MODEL), dtype=jnp.float32) * 0.02
    return {"tokens": tokens, "W_pos": W_pos}

def reference(tokens, W_pos):
    batch, seq_len = tokens.shape
    # eo.repeat(W_pos[:seq_len], 'seq d -> batch seq d', batch=batch)
    pos_slice = W_pos[:seq_len]
    return jnp.broadcast_to(pos_slice[None, :, :], (batch, seq_len, W_pos.shape[1]))

if __name__ == "__main__":
    import jax
    _d = setup_inputs()
    print(jax.jit(kernel)(*tuple(_d.values())))

</pallas_src>

<mosaic_0001>
#map = affine_map<(d0, d1) -> (0, 0)>
#map1 = affine_map<(d0, d1) -> (0, 0, 0)>
module attributes {stable_mosaic.version = 14 : i64} {
  func.func @_sc_bcast(%arg0: i32, %arg1: i32, %arg2: memref<8192x1024xf32, #tpu.memory_space<hbm>>, %arg3: memref<4x8192x1024xf32, #tpu.memory_space<hbm>>, %arg4: memref<32x1024xf32, #tpu.memory_space<vmem>>, %arg5: memref<32x1024xf32, #tpu.memory_space<vmem>>, %arg6: memref<!tpu.dma_semaphore, #tpu.memory_space<semaphore_mem>>, %arg7: memref<!tpu.dma_semaphore, #tpu.memory_space<semaphore_mem>>) attributes {dimension_semantics = [#tpu.dimension_semantics<core_parallel>, #tpu.dimension_semantics<subcore_parallel>], iteration_bounds = array<i64: 2, 16>, scalar_prefetch = 0 : i64, scratch_operands = 4 : i64, tpu.core_type = #tpu.core_type<sc_vector_subcore>, window_params = [{transform_indices = #map}, {transform_indices = #map1}]} {
    %mul3A = arith.constant 2 : i32
    %mul3A_0 = arith.muli %arg1, %mul3A : i32
    %add3A = arith.addi %mul3A_0, %arg0 : i32
    %mul3A_1 = arith.constant 256 : i32
    %mul3A_2 = arith.muli %add3A, %mul3A_1 : i32
    %add3A_3 = arith.constant 0 : i32
    %add3A_4 = arith.addi %mul3A_2, %add3A_3 : i32
    %dma_start3A = arith.constant 0 : i32
    %dma_start3A_5 = tpu.memref_slice %arg2[%add3A_4, %dma_start3A] : memref<8192x1024xf32, #tpu.memory_space<hbm>> -> memref<32x1024xf32, #tpu.memory_space<hbm>>
    %dma_start3A_6 = arith.constant 0 : i32
    %dma_start3A_7 = tpu.memref_slice %arg2[%add3A_4, %dma_start3A_6] : memref<8192x1024xf32, #tpu.memory_space<hbm>> -> memref<32x1024xf32, #tpu.memory_space<hbm>>
    tpu.enqueue_dma source(%dma_start3A_7 : memref<32x1024xf32, #tpu.memory_space<hbm>>) target(%arg4 : memref<32x1024xf32, #tpu.memory_space<vmem>>) target_semaphore(%arg6 : memref<!tpu.dma_semaphore, #tpu.memory_space<semaphore_mem>>)
    %add3A_8 = arith.constant 0 : i32
    %add3A_9 = arith.addi %mul3A_2, %add3A_8 : i32
    %dma_wait3A = arith.constant 0 : i32
    %dma_wait3A_10 = tpu.memref_slice %arg2[%add3A_9, %dma_wait3A] : memref<8192x1024xf32, #tpu.memory_space<hbm>> -> memref<32x1024xf32, #tpu.memory_space<hbm>>
    %dma_wait3A_11 = arith.constant 0 : i32
    %dma_wait3A_12 = tpu.memref_slice %arg2[%add3A_9, %dma_wait3A_11] : memref<8192x1024xf32, #tpu.memory_space<hbm>> -> memref<32x1024xf32, #tpu.memory_space<hbm>>
    tpu.wait_dma2 semaphore(%arg6 : memref<!tpu.dma_semaphore, #tpu.memory_space<semaphore_mem>>) src(%dma_wait3A_12 : memref<32x1024xf32, #tpu.memory_space<hbm>>) dst(%arg4 : memref<32x1024xf32, #tpu.memory_space<vmem>>)
    %add3A_13 = arith.constant 32 : i32
    %add3A_14 = arith.addi %mul3A_2, %add3A_13 : i32
    %dma_start3A_15 = arith.constant 0 : i32
    %dma_start3A_16 = tpu.memref_slice %arg2[%add3A_14, %dma_start3A_15] : memref<8192x1024xf32, #tpu.memory_space<hbm>> -> memref<32x1024xf32, #tpu.memory_space<hbm>>
    %dma_start3A_17 = arith.constant 0 : i32
    %dma_start3A_18 = tpu.memref_slice %arg2[%add3A_14, %dma_start3A_17] : memref<8192x1024xf32, #tpu.memory_space<hbm>> -> memref<32x1024xf32, #tpu.memory_space<hbm>>
    tpu.enqueue_dma source(%dma_start3A_18 : memref<32x1024xf32, #tpu.memory_space<hbm>>) target(%arg5 : memref<32x1024xf32, #tpu.memory_space<vmem>>) target_semaphore(%arg6 : memref<!tpu.dma_semaphore, #tpu.memory_space<semaphore_mem>>)
    %add3A_19 = arith.constant 0 : i32
    %add3A_20 = arith.addi %mul3A_2, %add3A_19 : i32
    %dma_start3A_21 = arith.constant 0 : i32
    %dma_start3A_22 = arith.constant 0 : i32
    %dma_start3A_23 = tpu.memref_slice %arg3[%dma_start3A_21, %add3A_20, %dma_start3A_22] : memref<4x8192x1024xf32, #tpu.memory_space<hbm>> -> memref<1x32x1024xf32, #tpu.memory_space<hbm>>
    %dma_start3A_24 = tpu.memref_squeeze %dma_start3A_23 : memref<1x32x1024xf32, #tpu.memory_space<hbm>> -> memref<32x1024xf32, #tpu.memory_space<hbm>>
    %dma_start3A_25 = arith.constant 0 : i32
    %dma_start3A_26 = tpu.memref_slice %arg3[%dma_start3A_21, %add3A_20, %dma_start3A_25] : memref<4x8192x1024xf32, #tpu.memory_space<hbm>> -> memref<1x32x1024xf32, #tpu.memory_space<hbm>>
    %dma_start3A_27 = tpu.memref_squeeze %dma_start3A_26 : memref<1x32x1024xf32, #tpu.memory_space<hbm>> -> memref<32x1024xf32, #tpu.memory_space<hbm>>
    tpu.enqueue_dma source(%arg4 : memref<32x1024xf32, #tpu.memory_space<vmem>>) target(%dma_start3A_27 : memref<32x1024xf32, #tpu.memory_space<hbm>>) target_semaphore(%arg7 : memref<!tpu.dma_semaphore, #tpu.memory_space<semaphore_mem>>)
    %add3A_28 = arith.constant 0 : i32
    %add3A_29 = arith.addi %mul3A_2, %add3A_28 : i32
    %dma_start3A_30 = arith.constant 1 : i32
    %dma_start3A_31 = arith.constant 0 : i32
    %dma_start3A_32 = tpu.memref_slice %arg3[%dma_start3A_30, %add3A_29, %dma_start3A_31] : memref<4x8192x1024xf32, #tpu.memory_space<hbm>> -> memref<1x32x1024xf32, #tpu.memory_space<hbm>>
    %dma_start3A_33 = tpu.memref_squeeze %dma_start3A_32 : memref<1x32x1024xf32, #tpu.memory_space<hbm>> -> memref<32x1024xf32, #tpu.memory_space<hbm>>
    %dma_start3A_34 = arith.constant 0 : i32
    %dma_start3A_35 = tpu.memref_slice %arg3[%dma_start3A_30, %add3A_29, %dma_start3A_34] : memref<4x8192x1024xf32, #tpu.memory_space<hbm>> -> memref<1x32x1024xf32, #tpu.memory_space<hbm>>
    %dma_start3A_36 = tpu.memref_squeeze %dma_start3A_35 : memref<1x32x1024xf32, #tpu.memory_space<hbm>> -> memref<32x1024xf32, #tpu.memory_space<hbm>>
    tpu.enqueue_dma source(%arg4 : memref<32x1024xf32, #tpu.memory_space<vmem>>) target(%dma_start3A_36 : memref<32x1024xf32, #tpu.memory_space<hbm>>) target_semaphore(%arg7 : memref<!tpu.dma_semaphore, #tpu.memory_space<semaphore_mem>>)
    %add3A_37 = arith.constant 0 : i32
    %add3A_38 = arith.addi %mul3A_2, %add3A_37 : i32
    %dma_start3A_39 = arith.constant 2 : i32
    %dma_start3A_40 = arith.constant 0 : i32
    %dma_start3A_41 = tpu.memref_slice %arg3[%dma_start3A_39, %add3A_38, %dma_start3A_40] : memref<4x8192x1024xf32, #tpu.memory_space<hbm>> -> memref<1x32x1024xf32, #tpu.memory_space<hbm>>
    %dma_start3A_42 = tpu.memref_squeeze %dma_start3A_41 : memref<1x32x1024xf32, #tpu.memory_space<hbm>> -> memref<32x1024xf32, #tpu.memory_space<hbm>>
    %dma_start3A_43 = arith.constant 0 : i32
    %dma_start3A_44 = tpu.memref_slice %arg3[%dma_start3A_39, %add3A_38, %dma_start3A_43] : memref<4x8192x1024xf32, #tpu.memory_space<hbm>> -> memref<1x32x1024xf32, #tpu.memory_space<hbm>>
    %dma_start3A_45 = tpu.memref_squeeze %dma_start3A_44 : memref<1x32x1024xf32, #tpu.memory_space<hbm>> -> memref<32x1024xf32, #tpu.memory_space<hbm>>
    tpu.enqueue_dma source(%arg4 : memref<32x1024xf32, #tpu.memory_space<vmem>>) target(%dma_start3A_45 : memref<32x1024xf32, #tpu.memory_space<hbm>>) target_semaphore(%arg7 : memref<!tpu.dma_semaphore, #tpu.memory_space<semaphore_mem>>)
    %add3A_46 = arith.constant 0 : i32
    %add3A_47 = arith.addi %mul3A_2, %add3A_46 : i32
    %dma_start3A_48 = arith.constant 3 : i32
    %dma_start3A_49 = arith.constant 0 : i32
    %dma_start3A_50 = tpu.memref_slice %arg3[%dma_start3A_48, %add3A_47, %dma_start3A_49] : memref<4x8192x1024xf32, #tpu.memory_space<hbm>> -> memref<1x32x1024xf32, #tpu.memory_space<hbm>>
    %dma_start3A_51 = tpu.memref_squeeze %dma_start3A_50 : memref<1x32x1024xf32, #tpu.memory_space<hbm>> -> memref<32x1024xf32, #tpu.memory_space<hbm>>
    %dma_start3A_52 = arith.constant 0 : i32
    %dma_start3A_53 = tpu.memref_slice %arg3[%dma_start3A_48, %add3A_47, %dma_start3A_52] : memref<4x8192x1024xf32, #tpu.memory_space<hbm>> -> memref<1x32x1024xf32, #tpu.memory_space<hbm>>
    %dma_start3A_54 = tpu.memref_squeeze %dma_start3A_53 : memref<1x32x1024xf32, #tpu.memory_space<hbm>> -> memref<32x1024xf32, #tpu.memory_space<hbm>>
    tpu.enqueue_dma source(%arg4 : memref<32x1024xf32, #tpu.memory_space<vmem>>) target(%dma_start3A_54 : memref<32x1024xf32, #tpu.memory_space<hbm>>) target_semaphore(%arg7 : memref<!tpu.dma_semaphore, #tpu.memory_space<semaphore_mem>>)
    %add3A_55 = arith.constant 32 : i32
    %add3A_56 = arith.addi %mul3A_2, %add3A_55 : i32
    %dma_wait3A_57 = arith.constant 0 : i32
    %dma_wait3A_58 = tpu.memref_slice %arg2[%add3A_56, %dma_wait3A_57] : memref<8192x1024xf32, #tpu.memory_space<hbm>> -> memref<32x1024xf32, #tpu.memory_space<hbm>>
    %dma_wait3A_59 = arith.constant 0 : i32
    %dma_wait3A_60 = tpu.memref_slice %arg2[%add3A_56, %dma_wait3A_59] : memref<8192x1024xf32, #tpu.memory_space<hbm>> -> memref<32x1024xf32, #tpu.memory_space<hbm>>
    tpu.wait_dma2 semaphore(%arg6 : memref<!tpu.dma_semaphore, #tpu.memory_space<semaphore_mem>>) src(%dma_wait3A_60 : memref<32x1024xf32, #tpu.memory_space<hbm>>) dst(%arg5 : memref<32x1024xf32, #tpu.memory_space<vmem>>)
    %add3A_61 = arith.constant 0 : i32
    %add3A_62 = arith.addi %mul3A_2, %add3A_61 : i32
    %dma_wait3A_63 = arith.constant 0 : i32
    %dma_wait3A_64 = arith.constant 0 : i32
    %dma_wait3A_65 = tpu.memref_slice %arg3[%dma_wait3A_63, %add3A_62, %dma_wait3A_64] : memref<4x8192x1024xf32, #tpu.memory_space<hbm>> -> memref<1x32x1024xf32, #tpu.memory_space<hbm>>
    %dma_wait3A_66 = tpu.memref_squeeze %dma_wait3A_65 : memref<1x32x1024xf32, #tpu.memory_space<hbm>> -> memref<32x1024xf32, #tpu.memory_space<hbm>>
    %dma_wait3A_67 = arith.constant 0 : i32
    %dma_wait3A_68 = tpu.memref_slice %arg3[%dma_wait3A_63, %add3A_62, %dma_wait3A_67] : memref<4x8192x1024xf32, #tpu.memory_space<hbm>> -> memref<1x32x1024xf32, #tpu.memory_space<hbm>>
    %dma_wait3A_69 = tpu.memref_squeeze %dma_wait3A_68 : memref<1x32x1024xf32, #tpu.memory_space<hbm>> -> memref<32x1024xf32, #tpu.memory_space<hbm>>
    tpu.wait_dma2 semaphore(%arg7 : memref<!tpu.dma_semaphore, #tpu.memory_space<semaphore_mem>>) src(%arg4 : memref<32x1024xf32, #tpu.memory_space<vmem>>) dst(%dma_wait3A_69 : memref<32x1024xf32, #tpu.memory_space<hbm>>)
    %add3A_70 = arith.constant 0 : i32
    %add3A_71 = arith.addi %mul3A_2, %add3A_70 : i32
    %dma_wait3A_72 = arith.constant 1 : i32
    %dma_wait3A_73 = arith.constant 0 : i32
    %dma_wait3A_74 = tpu.memref_slice %arg3[%dma_wait3A_72, %add3A_71, %dma_wait3A_73] : memref<4x8192x1024xf32, #tpu.memory_space<hbm>> -> memref<1x32x1024xf32, #tpu.memory_space<hbm>>
    %dma_wait3A_75 = tpu.memref_squeeze %dma_wait3A_74 : memref<1x32x1024xf32, #tpu.memory_space<hbm>> -> memref<32x1024xf32, #tpu.memory_space<hbm>>
    %dma_wait3A_76 = arith.constant 0 : i32
    %dma_wait3A_77 = tpu.memref_slice %arg3[%dma_wait3A_72, %add3A_71, %dma_wait3A_76] : memref<4x8192x1024xf32, #tpu.memory_space<hbm>> -> memref<1x32x1024xf32, #tpu.memory_space<hbm>>
    %dma_wait3A_78 = tpu.memref_squeeze %dma_wait3A_77 : memref<1x32x1024xf32, #tpu.memory_space<hbm>> -> memref<32x1024xf32, #tpu.memory_space<hbm>>
    tpu.wait_dma2 semaphore(%arg7 : memref<!tpu.dma_semaphore, #tpu.memory_space<semaphore_mem>>) src(%arg4 : memref<32x1024xf32, #tpu.memory_space<vmem>>) dst(%dma_wait3A_78 : memref<32x1024xf32, #tpu.memory_space<hbm>>)
    %add3A_79 = arith.constant 0 : i32
    %add3A_80 = arith.addi %mul3A_2, %add3A_79 : i32
    %dma_wait3A_81 = arith.constant 2 : i32
    %dma_wait3A_82 = arith.constant 0 : i32
    %dma_wait3A_83 = tpu.memref_slice %arg3[%dma_wait3A_81, %add3A_80, %dma_wait3A_82] : memref<4x8192x1024xf32, #tpu.memory_space<hbm>> -> memref<1x32x1024xf32, #tpu.memory_space<hbm>>
    %dma_wait3A_84 = tpu.memref_squeeze %dma_wait3A_83 : memref<1x32x1024xf32, #tpu.memory_space<hbm>> -> memref<32x1024xf32, #tpu.memory_space<hbm>>
    %dma_wait3A_85 = arith.constant 0 : i32
    %dma_wait3A_86 = tpu.memref_slice %arg3[%dma_wait3A_81, %add3A_80, %dma_wait3A_85] : memref<4x8192x1024xf32, #tpu.memory_space<hbm>> -> memref<1x32x1024xf32, #tpu.memory_space<hbm>>
    %dma_wait3A_87 = tpu.memref_squeeze %dma_wait3A_86 : memref<1x32x1024xf32, #tpu.memory_space<hbm>> -> memref<32x1024xf32, #tpu.memory_space<hbm>>
    tpu.wait_dma2 semaphore(%arg7 : memref<!tpu.dma_semaphore, #tpu.memory_space<semaphore_mem>>) src(%arg4 : memref<32x1024xf32, #tpu.memory_space<vmem>>) dst(%dma_wait3A_87 : memref<32x1024xf32, #tpu.memory_space<hbm>>)
    %add3A_88 = arith.constant 0 : i32
    %add3A_89 = arith.addi %mul3A_2, %add3A_88 : i32
    %dma_wait3A_90 = arith.constant 3 : i32
    %dma_wait3A_91 = arith.constant 0 : i32
    %dma_wait3A_92 = tpu.memref_slice %arg3[%dma_wait3A_90, %add3A_89, %dma_wait3A_91] : memref<4x8192x1024xf32, #tpu.memory_space<hbm>> -> memref<1x32x1024xf32, #tpu.memory_space<hbm>>
    %dma_wait3A_93 = tpu.memref_squeeze %dma_wait3A_92 : memref<1x32x1024xf32, #tpu.memory_space<hbm>> -> memref<32x1024xf32, #tpu.memory_space<hbm>>
    %dma_wait3A_94 = arith.constant 0 : i32
    %dma_wait3A_95 = tpu.memref_slice %arg3[%dma_wait3A_90, %add3A_89, %dma_wait3A_94] : memref<4x8192x1024xf32, #tpu.memory_space<hbm>> -> memref<1x32x1024xf32, #tpu.memory_space<hbm>>
    %dma_wait3A_96 = tpu.memref_squeeze %dma_wait3A_95 : memref<1x32x1024xf32, #tpu.memory_space<hbm>> -> memref<32x1024xf32, #tpu.memory_space<hbm>>
    tpu.wait_dma2 semaphore(%arg7 : memref<!tpu.dma_semaphore, #tpu.memory_space<semaphore_mem>>) src(%arg4 : memref<32x1024xf32, #tpu.memory_space<vmem>>) dst(%dma_wait3A_96 : memref<32x1024xf32, #tpu.memory_space<hbm>>)
    %add3A_97 = arith.constant 64 : i32
    %add3A_98 = arith.addi %mul3A_2, %add3A_97 : i32
    %dma_start3A_99 = arith.constant 0 : i32
    %dma_start3A_100 = tpu.memref_slice %arg2[%add3A_98, %dma_start3A_99] : memref<8192x1024xf32, #tpu.memory_space<hbm>> -> memref<32x1024xf32, #tpu.memory_space<hbm>>
    %dma_start3A_101 = arith.constant 0 : i32
    %dma_start3A_102 = tpu.memref_slice %arg2[%add3A_98, %dma_start3A_101] : memref<8192x1024xf32, #tpu.memory_space<hbm>> -> memref<32x1024xf32, #tpu.memory_space<hbm>>
    tpu.enqueue_dma source(%dma_start3A_102 : memref<32x1024xf32, #tpu.memory_space<hbm>>) target(%arg4 : memref<32x1024xf32, #tpu.memory_space<vmem>>) target_semaphore(%arg6 : memref<!tpu.dma_semaphore, #tpu.memory_space<semaphore_mem>>)
    %add3A_103 = arith.constant 32 : i32
    %add3A_104 = arith.addi %mul3A_2, %add3A_103 : i32
    %dma_start3A_105 = arith.constant 0 : i32
    %dma_start3A_106 = arith.constant 0 : i32
    %dma_start3A_107 = tpu.memref_slice %arg3[%dma_start3A_105, %add3A_104, %dma_start3A_106] : memref<4x8192x1024xf32, #tpu.memory_space<hbm>> -> memref<1x32x1024xf32, #tpu.memory_space<hbm>>
    %dma_start3A_108 = tpu.memref_squeeze %dma_start3A_107 : memref<1x32x1024xf32, #tpu.memory_space<hbm>> -> memref<32x1024xf32, #tpu.memory_space<hbm>>
    %dma_start3A_109 = arith.constant 0 : i32
    %dma_start3A_110 = tpu.memref_slice %arg3[%dma_start3A_105, %add3A_104, %dma_start3A_109] : memref<4x8192x1024xf32, #tpu.memory_space<hbm>> -> memref<1x32x1024xf32, #tpu.memory_space<hbm>>
    %dma_start3A_111 = tpu.memref_squeeze %dma_start3A_110 : memref<1x32x1024xf32, #tpu.memory_space<hbm>> -> memref<32x1024xf32, #tpu.memory_space<hbm>>
    tpu.enqueue_dma source(%arg5 : memref<32x1024xf32, #tpu.memory_space<vmem>>) target(%dma_start3A_111 : memref<32x1024xf32, #tpu.memory_space<hbm>>) target_semaphore(%arg7 : memref<!tpu.dma_semaphore, #tpu.memory_space<semaphore_mem>>)
    %add3A_112 = arith.constant 32 : i32
    %add3A_113 = arith.addi %mul3A_2, %add3A_112 : i32
    %dma_start3A_114 = arith.constant 1 : i32
    %dma_start3A_115 = arith.constant 0 : i32
    %dma_start3A_116 = tpu.memref_slice %arg3[%dma_start3A_114, %add3A_113, %dma_start3A_115] : memref<4x8192x1024xf32, #tpu.memory_space<hbm>> -> memref<1x32x1024xf32, #tpu.memory_space<hbm>>
    %dma_start3A_117 = tpu.memref_squeeze %dma_start3A_116 : memref<1x32x1024xf32, #tpu.memory_space<hbm>> -> memref<32x1024xf32, #tpu.memory_space<hbm>>
    %dma_start3A_118 = arith.constant 0 : i32
    %dma_start3A_119 = tpu.memref_slice %arg3[%dma_start3A_114, %add3A_113, %dma_start3A_118] : memref<4x8192x1024xf32, #tpu.memory_space<hbm>> -> memref<1x32x1024xf32, #tpu.memory_space<hbm>>
    %dma_start3A_120 = tpu.memref_squeeze %dma_start3A_119 : memref<1x32x1024xf32, #tpu.memory_space<hbm>> -> memref<32x1024xf32, #tpu.memory_space<hbm>>
    tpu.enqueue_dma source(%arg5 : memref<32x1024xf32, #tpu.memory_space<vmem>>) target(%dma_start3A_120 : memref<32x1024xf32, #tpu.memory_space<hbm>>) target_semaphore(%arg7 : memref<!tpu.dma_semaphore, #tpu.memory_space<semaphore_mem>>)
    %add3A_121 = arith.constant 32 : i32
    %add3A_122 = arith.addi %mul3A_2, %add3A_121 : i32
    %dma_start3A_123 = arith.constant 2 : i32
    %dma_start3A_124 = arith.constant 0 : i32
    %dma_start3A_125 = tpu.memref_slice %arg3[%dma_start3A_123, %add3A_122, %dma_start3A_124] : memref<4x8192x1024xf32, #tpu.memory_space<hbm>> -> memref<1x32x1024xf32, #tpu.memory_space<hbm>>
    %dma_start3A_126 = tpu.memref_squeeze %dma_start3A_125 : memref<1x32x1024xf32, #tpu.memory_space<hbm>> -> memref<32x1024xf32, #tpu.memory_space<hbm>>
    %dma_start3A_127 = arith.constant 0 : i32
    %dma_start3A_128 = tpu.memref_slice %arg3[%dma_start3A_123, %add3A_122, %dma_start3A_127] : memref<4x8192x1024xf32, #tpu.memory_space<hbm>> -> memref<1x32x1024xf32, #tpu.memory_space<hbm>>
    %dma_start3A_129 = tpu.memref_squeeze %dma_start3A_128 : memref<1x32x1024xf32, #tpu.memory_space<hbm>> -> memref<32x1024xf32, #tpu.memory_space<hbm>>
    tpu.enqueue_dma source(%arg5 : memref<32x1024xf32, #tpu.memory_space<vmem>>) target(%dma_start3A_129 : memref<32x1024xf32, #tpu.memory_space<hbm>>) target_semaphore(%arg7 : memref<!tpu.dma_semaphore, #tpu.memory_space<semaphore_mem>>)
    %add3A_130 = arith.constant 32 : i32
    %add3A_131 = arith.addi %mul3A_2, %add3A_130 : i32
    %dma_start3A_132 = arith.constant 3 : i32
    %dma_start3A_133 = arith.constant 0 : i32
    %dma_start3A_134 = tpu.memref_slice %arg3[%dma_start3A_132, %add3A_131, %dma_start3A_133] : memref<4x8192x1024xf32, #tpu.memory_space<hbm>> -> memref<1x32x1024xf32, #tpu.memory_space<hbm>>
    %dma_start3A_135 = tpu.memref_squeeze %dma_start3A_134 : memref<1x32x1024xf32, #tpu.memory_space<hbm>> -> memref<32x1024xf32, #tpu.memory_space<hbm>>
    %dma_start3A_136 = arith.constant 0 : i32
    %dma_start3A_137 = tpu.memref_slice %arg3[%dma_start3A_132, %add3A_131, %dma_start3A_136] : memref<4x8192x1024xf32, #tpu.memory_space<hbm>> -> memref<1x32x1024xf32, #tpu.memory_space<hbm>>
    %dma_start3A_138 = tpu.memref_squeeze %dma_start3A_137 : memref<1x32x1024xf32, #tpu.memory_space<hbm>> -> memref<32x1024xf32, #tpu.memory_space<hbm>>
    tpu.enqueue_dma source(%arg5 : memref<32x1024xf32, #tpu.memory_space<vmem>>) target(%dma_start3A_138 : memref<32x1024xf32, #tpu.memory_space<hbm>>) target_semaphore(%arg7 : memref<!tpu.dma_semaphore, #tpu.memory_space<semaphore_mem>>)
    %add3A_139 = arith.constant 64 : i32
    %add3A_140 = arith.addi %mul3A_2, %add3A_139 : i32
    %dma_wait3A_141 = arith.constant 0 : i32
    %dma_wait3A_142 = tpu.memref_slice %arg2[%add3A_140, %dma_wait3A_141] : memref<8192x1024xf32, #tpu.memory_space<hbm>> -> memref<32x1024xf32, #tpu.memory_space<hbm>>
    %dma_wait3A_143 = arith.constant 0 : i32
    %dma_wait3A_144 = tpu.memref_slice %arg2[%add3A_140, %dma_wait3A_143] : memref<8192x1024xf32, #tpu.memory_space<hbm>> -> memref<32x1024xf32, #tpu.memory_space<hbm>>
    tpu.wait_dma2 semaphore(%arg6 : memref<!tpu.dma_semaphore, #tpu.memory_space<semaphore_mem>>) src(%dma_wait3A_144 : memref<32x1024xf32, #tpu.memory_space<hbm>>) dst(%arg4 : memref<32x1024xf32, #tpu.memory_space<vmem>>)
    %add3A_145 = arith.constant 32 : i32
    %add3A_146 = arith.addi %mul3A_2, %add3A_145 : i32
    %dma_wait3A_147 = arith.constant 0 : i32
    %dma_wait3A_148 = arith.constant 0 : i32
    %dma_wait3A_149 = tpu.memref_slice %arg3[%dma_wait3A_147, %add3A_146, %dma_wait3A_148] : memref<4x8192x1024xf32, #tpu.memory_space<hbm>> -> memref<1x32x1024xf32, #tpu.memory_space<hbm>>
    %dma_wait3A_150 = tpu.memref_squeeze %dma_wait3A_149 : memref<1x32x1024xf32, #tpu.memory_space<hbm>> -> memref<32x1024xf32, #tpu.memory_space<hbm>>
    %dma_wait3A_151 = arith.constant 0 : i32
    %dma_wait3A_152 = tpu.memref_slice %arg3[%dma_wait3A_147, %add3A_146, %dma_wait3A_151] : memref<4x8192x1024xf32, #tpu.memory_space<hbm>> -> memref<1x32x1024xf32, #tpu.memory_space<hbm>>
    %dma_wait3A_153 = tpu.memref_squeeze %dma_wait3A_152 : memref<1x32x1024xf32, #tpu.memory_space<hbm>> -> memref<32x1024xf32, #tpu.memory_space<hbm>>
    tpu.wait_dma2 semaphore(%arg7 : memref<!tpu.dma_semaphore, #tpu.memory_space<semaphore_mem>>) src(%arg5 : memref<32x1024xf32, #tpu.memory_space<vmem>>) dst(%dma_wait3A_153 : memref<32x1024xf32, #tpu.memory_space<hbm>>)
    %add3A_154 = arith.constant 32 : i32
    %add3A_155 = arith.addi %mul3A_2, %add3A_154 : i32
    %dma_wait3A_156 = arith.constant 1 : i32
    %dma_wait3A_157 = arith.constant 0 : i32
    %dma_wait3A_158 = tpu.memref_slice %arg3[%dma_wait3A_156, %add3A_155, %dma_wait3A_157] : memref<4x8192x1024xf32, #tpu.memory_space<hbm>> -> memref<1x32x1024xf32, #tpu.memory_space<hbm>>
    %dma_wait3A_159 = tpu.memref_squeeze %dma_wait3A_158 : memref<1x32x1024xf32, #tpu.memory_space<hbm>> -> memref<32x1024xf32, #tpu.memory_space<hbm>>
    %dma_wait3A_160 = arith.constant 0 : i32
    %dma_wait3A_161 = tpu.memref_slice %arg3[%dma_wait3A_156, %add3A_155, %dma_wait3A_160] : memref<4x8192x1024xf32, #tpu.memory_space<hbm>> -> memref<1x32x1024xf32, #tpu.memory_space<hbm>>
    %dma_wait3A_162 = tpu.memref_squeeze %dma_wait3A_161 : memref<1x32x1024xf32, #tpu.memory_space<hbm>> -> memref<32x1024xf32, #tpu.memory_space<hbm>>
    tpu.wait_dma2 semaphore(%arg7 : memref<!tpu.dma_semaphore, #tpu.memory_space<semaphore_mem>>) src(%arg5 : memref<32x1024xf32, #tpu.memory_space<vmem>>) dst(%dma_wait3A_162 : memref<32x1024xf32, #tpu.memory_space<hbm>>)
    %add3A_163 = arith.constant 32 : i32
    %add3A_164 = arith.addi %mul3A_2, %add3A_163 : i32
    %dma_wait3A_165 = arith.constant 2 : i32
    %dma_wait3A_166 = arith.constant 0 : i32
    %dma_wait3A_167 = tpu.memref_slice %arg3[%dma_wait3A_165, %add3A_164, %dma_wait3A_166] : memref<4x8192x1024xf32, #tpu.memory_space<hbm>> -> memref<1x32x1024xf32, #tpu.memory_space<hbm>>
    %dma_wait3A_168 = tpu.memref_squeeze %dma_wait3A_167 : memref<1x32x1024xf32, #tpu.memory_space<hbm>> -> memref<32x1024xf32, #tpu.memory_space<hbm>>
    %dma_wait3A_169 = arith.constant 0 : i32
    %dma_wait3A_170 = tpu.memref_slice %arg3[%dma_wait3A_165, %add3A_164, %dma_wait3A_169] : memref<4x8192x1024xf32, #tpu.memory_space<hbm>> -> memref<1x32x1024xf32, #tpu.memory_space<hbm>>
    %dma_wait3A_171 = tpu.memref_squeeze %dma_wait3A_170 : memref<1x32x1024xf32, #tpu.memory_space<hbm>> -> memref<32x1024xf32, #tpu.memory_space<hbm>>
    tpu.wait_dma2 semaphore(%arg7 : memref<!tpu.dma_semaphore, #tpu.memory_space<semaphore_mem>>) src(%arg5 : memref<32x1024xf32, #tpu.memory_space<vmem>>) dst(%dma_wait3A_171 : memref<32x1024xf32, #tpu.memory_space<hbm>>)
    %add3A_172 = arith.constant 32 : i32
    %add3A_173 = arith.addi %mul3A_2, %add3A_172 : i32
    %dma_wait3A_174 = arith.constant 3 : i32
    %dma_wait3A_175 = arith.constant 0 : i32
    %dma_wait3A_176 = tpu.memref_slice %arg3[%dma_wait3A_174, %add3A_173, %dma_wait3A_175] : memref<4x8192x1024xf32, #tpu.memory_space<hbm>> -> memref<1x32x1024xf32, #tpu.memory_space<hbm>>
    %dma_wait3A_177 = tpu.memref_squeeze %dma_wait3A_176 : memref<1x32x1024xf32, #tpu.memory_space<hbm>> -> memref<32x1024xf32, #tpu.memory_space<hbm>>
    %dma_wait3A_178 = arith.constant 0 : i32
    %dma_wait3A_179 = tpu.memref_slice %arg3[%dma_wait3A_174, %add3A_173, %dma_wait3A_178] : memref<4x8192x1024xf32, #tpu.memory_space<hbm>> -> memref<1x32x1024xf32, #tpu.memory_space<hbm>>
    %dma_wait3A_180 = tpu.memref_squeeze %dma_wait3A_179 : memref<1x32x1024xf32, #tpu.memory_space<hbm>> -> memref<32x1024xf32, #tpu.memory_space<hbm>>
    tpu.wait_dma2 semaphore(%arg7 : memref<!tpu.dma_semaphore, #tpu.memory_space<semaphore_mem>>) src(%arg5 : memref<32x1024xf32, #tpu.memory_space<vmem>>) dst(%dma_wait3A_180 : memref<32x1024xf32, #tpu.memory_space<hbm>>)
    %add3A_181 = arith.constant 96 : i32
    %add3A_182 = arith.addi %mul3A_2, %add3A_181 : i32
    %dma_start3A_183 = arith.constant 0 : i32
    %dma_start3A_184 = tpu.memref_slice %arg2[%add3A_182, %dma_start3A_183] : memref<8192x1024xf32, #tpu.memory_space<hbm>> -> memref<32x1024xf32, #tpu.memory_space<hbm>>
    %dma_start3A_185 = arith.constant 0 : i32
    %dma_start3A_186 = tpu.memref_slice %arg2[%add3A_182, %dma_start3A_185] : memref<8192x1024xf32, #tpu.memory_space<hbm>> -> memref<32x1024xf32, #tpu.memory_space<hbm>>
    tpu.enqueue_dma source(%dma_start3A_186 : memref<32x1024xf32, #tpu.memory_space<hbm>>) target(%arg5 : memref<32x1024xf32, #tpu.memory_space<vmem>>) target_semaphore(%arg6 : memref<!tpu.dma_semaphore, #tpu.memory_space<semaphore_mem>>)
    %add3A_187 = arith.constant 64 : i32
    %add3A_188 = arith.addi %mul3A_2, %add3A_187 : i32
    %dma_start3A_189 = arith.constant 0 : i32
    %dma_start3A_190 = arith.constant 0 : i32
    %dma_start3A_191 = tpu.memref_slice %arg3[%dma_start3A_189, %add3A_188, %dma_start3A_190] : memref<4x8192x1024xf32, #tpu.memory_space<hbm>> -> memref<1x32x1024xf32, #tpu.memory_space<hbm>>
    %dma_start3A_192 = tpu.memref_squeeze %dma_start3A_191 : memref<1x32x1024xf32, #tpu.memory_space<hbm>> -> memref<32x1024xf32, #tpu.memory_space<hbm>>
    %dma_start3A_193 = arith.constant 0 : i32
    %dma_start3A_194 = tpu.memref_slice %arg3[%dma_start3A_189, %add3A_188, %dma_start3A_193] : memref<4x8192x1024xf32, #tpu.memory_space<hbm>> -> memref<1x32x1024xf32, #tpu.memory_space<hbm>>
    %dma_start3A_195 = tpu.memref_squeeze %dma_start3A_194 : memref<1x32x1024xf32, #tpu.memory_space<hbm>> -> memref<32x1024xf32, #tpu.memory_space<hbm>>
    tpu.enqueue_dma source(%arg4 : memref<32x1024xf32, #tpu.memory_space<vmem>>) target(%dma_start3A_195 : memref<32x1024xf32, #tpu.memory_space<hbm>>) target_semaphore(%arg7 : memref<!tpu.dma_semaphore, #tpu.memory_space<semaphore_mem>>)
    %add3A_196 = arith.constant 64 : i32
    %add3A_197 = arith.addi %mul3A_2, %add3A_196 : i32
    %dma_start3A_198 = arith.constant 1 : i32
    %dma_start3A_199 = arith.constant 0 : i32
    %dma_start3A_200 = tpu.memref_slice %arg3[%dma_start3A_198, %add3A_197, %dma_start3A_199] : memref<4x8192x1024xf32, #tpu.memory_space<hbm>> -> memref<1x32x1024xf32, #tpu.memory_space<hbm>>
    %dma_start3A_201 = tpu.memref_squeeze %dma_start3A_200 : memref<1x32x1024xf32, #tpu.memory_space<hbm>> -> memref<32x1024xf32, #tpu.memory_space<hbm>>
    %dma_start3A_202 = arith.constant 0 : i32
    %dma_start3A_203 = tpu.memref_slice %arg3[%dma_start3A_198, %add3A_197, %dma_start3A_202] : memref<4x8192x1024xf32, #tpu.memory_space<hbm>> -> memref<1x32x1024xf32, #tpu.memory_space<hbm>>
    %dma_start3A_204 = tpu.memref_squeeze %dma_start3A_203 : memref<1x32x1024xf32, #tpu.memory_space<hbm>> -> memref<32x1024xf32, #tpu.memory_space<hbm>>
    tpu.enqueue_dma source(%arg4 : memref<32x1024xf32, #tpu.memory_space<vmem>>) target(%dma_start3A_204 : memref<32x1024xf32, #tpu.memory_space<hbm>>) target_semaphore(%arg7 : memref<!tpu.dma_semaphore, #tpu.memory_space<semaphore_mem>>)
    %add3A_205 = arith.constant 64 : i32
    %add3A_206 = arith.addi %mul3A_2, %add3A_205 : i32
    %dma_start3A_207 = arith.constant 2 : i32
    %dma_start3A_208 = arith.constant 0 : i32
    %dma_start3A_209 = tpu.memref_slice %arg3[%dma_start3A_207, %add3A_206, %dma_start3A_208] : memref<4x8192x1024xf32, #tpu.memory_space<hbm>> -> memref<1x32x1024xf32, #tpu.memory_space<hbm>>
    %dma_start3A_210 = tpu.memref_squeeze %dma_start3A_209 : memref<1x32x1024xf32, #tpu.memory_space<hbm>> -> memref<32x1024xf32, #tpu.memory_space<hbm>>
    %dma_start3A_211 = arith.constant 0 : i32
    %dma_start3A_212 = tpu.memref_slice %arg3[%dma_start3A_207, %add3A_206, %dma_start3A_211] : memref<4x8192x1024xf32, #tpu.memory_space<hbm>> -> memref<1x32x1024xf32, #tpu.memory_space<hbm>>
    %dma_start3A_213 = tpu.memref_squeeze %dma_start3A_212 : memref<1x32x1024xf32, #tpu.memory_space<hbm>> -> memref<32x1024xf32, #tpu.memory_space<hbm>>
    tpu.enqueue_dma source(%arg4 : memref<32x1024xf32, #tpu.memory_space<vmem>>) target(%dma_start3A_213 : memref<32x1024xf32, #tpu.memory_space<hbm>>) target_semaphore(%arg7 : memref<!tpu.dma_semaphore, #tpu.memory_space<semaphore_mem>>)
    %add3A_214 = arith.constant 64 : i32
    %add3A_215 = arith.addi %mul3A_2, %add3A_214 : i32
    %dma_start3A_216 = arith.constant 3 : i32
    %dma_start3A_217 = arith.constant 0 : i32
    %dma_start3A_218 = tpu.memref_slice %arg3[%dma_start3A_216, %add3A_215, %dma_start3A_217] : memref<4x8192x1024xf32, #tpu.memory_space<hbm>> -> memref<1x32x1024xf32, #tpu.memory_space<hbm>>
    %dma_start3A_219 = tpu.memref_squeeze %dma_start3A_218 : memref<1x32x1024xf32, #tpu.memory_space<hbm>> -> memref<32x1024xf32, #tpu.memory_space<hbm>>
    %dma_start3A_220 = arith.constant 0 : i32
    %dma_start3A_221 = tpu.memref_slice %arg3[%dma_start3A_216, %add3A_215, %dma_start3A_220] : memref<4x8192x1024xf32, #tpu.memory_space<hbm>> -> memref<1x32x1024xf32, #tpu.memory_space<hbm>>
    %dma_start3A_222 = tpu.memref_squeeze %dma_start3A_221 : memref<1x32x1024xf32, #tpu.memory_space<hbm>> -> memref<32x1024xf32, #tpu.memory_space<hbm>>
    tpu.enqueue_dma source(%arg4 : memref<32x1024xf32, #tpu.memory_space<vmem>>) target(%dma_start3A_222 : memref<32x1024xf32, #tpu.memory_space<hbm>>) target_semaphore(%arg7 : memref<!tpu.dma_semaphore, #tpu.memory_space<semaphore_mem>>)
    %add3A_223 = arith.constant 96 : i32
    %add3A_224 = arith.addi %mul3A_2, %add3A_223 : i32
    %dma_wait3A_225 = arith.constant 0 : i32
    %dma_wait3A_226 = tpu.memref_slice %arg2[%add3A_224, %dma_wait3A_225] : memref<8192x1024xf32, #tpu.memory_space<hbm>> -> memref<32x1024xf32, #tpu.memory_space<hbm>>
    %dma_wait3A_227 = arith.constant 0 : i32
    %dma_wait3A_228 = tpu.memref_slice %arg2[%add3A_224, %dma_wait3A_227] : memref<8192x1024xf32, #tpu.memory_space<hbm>> -> memref<32x1024xf32, #tpu.memory_space<hbm>>
    tpu.wait_dma2 semaphore(%arg6 : memref<!tpu.dma_semaphore, #tpu.memory_space<semaphore_mem>>) src(%dma_wait3A_228 : memref<32x1024xf32, #tpu.memory_space<hbm>>) dst(%arg5 : memref<32x1024xf32, #tpu.memory_space<vmem>>)
    %add3A_229 = arith.constant 64 : i32
    %add3A_230 = arith.addi %mul3A_2, %add3A_229 : i32
    %dma_wait3A_231 = arith.constant 0 : i32
    %dma_wait3A_232 = arith.constant 0 : i32
    %dma_wait3A_233 = tpu.memref_slice %arg3[%dma_wait3A_231, %add3A_230, %dma_wait3A_232] : memref<4x8192x1024xf32, #tpu.memory_space<hbm>> -> memref<1x32x1024xf32, #tpu.memory_space<hbm>>
    %dma_wait3A_234 = tpu.memref_squeeze %dma_wait3A_233 : memref<1x32x1024xf32, #tpu.memory_space<hbm>> -> memref<32x1024xf32, #tpu.memory_space<hbm>>
    %dma_wait3A_235 = arith.constant 0 : i32
    %dma_wait3A_236 = tpu.memref_slice %arg3[%dma_wait3A_231, %add3A_230, %dma_wait3A_235] : memref<4x8192x1024xf32, #tpu.memory_space<hbm>> -> memref<1x32x1024xf32, #tpu.memory_space<hbm>>
    %dma_wait3A_237 = tpu.memref_squeeze %dma_wait3A_236 : memref<1x32x1024xf32, #tpu.memory_space<hbm>> -> memref<32x1024xf32, #tpu.memory_space<hbm>>
    tpu.wait_dma2 semaphore(%arg7 : memref<!tpu.dma_semaphore, #tpu.memory_space<semaphore_mem>>) src(%arg4 : memref<32x1024xf32, #tpu.memory_space<vmem>>) dst(%dma_wait3A_237 : memref<32x1024xf32, #tpu.memory_space<hbm>>)
    %add3A_238 = arith.constant 64 : i32
    %add3A_239 = arith.addi %mul3A_2, %add3A_238 : i32
    %dma_wait3A_240 = arith.constant 1 : i32
    %dma_wait3A_241 = arith.constant 0 : i32
    %dma_wait3A_242 = tpu.memref_slice %arg3[%dma_wait3A_240, %add3A_239, %dma_wait3A_241] : memref<4x8192x1024xf32, #tpu.memory_space<hbm>> -> memref<1x32x1024xf32, #tpu.memory_space<hbm>>
    %dma_wait3A_243 = tpu.memref_squeeze %dma_wait3A_242 : memref<1x32x1024xf32, #tpu.memory_space<hbm>> -> memref<32x1024xf32, #tpu.memory_space<hbm>>
    %dma_wait3A_244 = arith.constant 0 : i32
    %dma_wait3A_245 = tpu.memref_slice %arg3[%dma_wait3A_240, %add3A_239, %dma_wait3A_244] : memref<4x8192x1024xf32, #tpu.memory_space<hbm>> -> memref<1x32x1024xf32, #tpu.memory_space<hbm>>
    %dma_wait3A_246 = tpu.memref_squeeze %dma_wait3A_245 : memref<1x32x1024xf32, #tpu.memory_space<hbm>> -> memref<32x1024xf32, #tpu.memory_space<hbm>>
    tpu.wait_dma2 semaphore(%arg7 : memref<!tpu.dma_semaphore, #tpu.memory_space<semaphore_mem>>) src(%arg4 : memref<32x1024xf32, #tpu.memory_space<vmem>>) dst(%dma_wait3A_246 : memref<32x1024xf32, #tpu.memory_space<hbm>>)
    %add3A_247 = arith.constant 64 : i32
    %add3A_248 = arith.addi %mul3A_2, %add3A_247 : i32
    %dma_wait3A_249 = arith.constant 2 : i32
    %dma_wait3A_250 = arith.constant 0 : i32
    %dma_wait3A_251 = tpu.memref_slice %arg3[%dma_wait3A_249, %add3A_248, %dma_wait3A_250] : memref<4x8192x1024xf32, #tpu.memory_space<hbm>> -> memref<1x32x1024xf32, #tpu.memory_space<hbm>>
    %dma_wait3A_252 = tpu.memref_squeeze %dma_wait3A_251 : memref<1x32x1024xf32, #tpu.memory_space<hbm>> -> memref<32x1024xf32, #tpu.memory_space<hbm>>
    %dma_wait3A_253 = arith.constant 0 : i32
    %dma_wait3A_254 = tpu.memref_slice %arg3[%dma_wait3A_249, %add3A_248, %dma_wait3A_253] : memref<4x8192x1024xf32, #tpu.memory_space<hbm>> -> memref<1x32x1024xf32, #tpu.memory_space<hbm>>
    %dma_wait3A_255 = tpu.memref_squeeze %dma_wait3A_254 : memref<1x32x1024xf32, #tpu.memory_space<hbm>> -> memref<32x1024xf32, #tpu.memory_space<hbm>>
    tpu.wait_dma2 semaphore(%arg7 : memref<!tpu.dma_semaphore, #tpu.memory_space<semaphore_mem>>) src(%arg4 : memref<32x1024xf32, #tpu.memory_space<vmem>>) dst(%dma_wait3A_255 : memref<32x1024xf32, #tpu.memory_space<hbm>>)
    %add3A_256 = arith.constant 64 : i32
    %add3A_257 = arith.addi %mul3A_2, %add3A_256 : i32
    %dma_wait3A_258 = arith.constant 3 : i32
    %dma_wait3A_259 = arith.constant 0 : i32
    %dma_wait3A_260 = tpu.memref_slice %arg3[%dma_wait3A_258, %add3A_257, %dma_wait3A_259] : memref<4x8192x1024xf32, #tpu.memory_space<hbm>> -> memref<1x32x1024xf32, #tpu.memory_space<hbm>>
    %dma_wait3A_261 = tpu.memref_squeeze %dma_wait3A_260 : memref<1x32x1024xf32, #tpu.memory_space<hbm>> -> memref<32x1024xf32, #tpu.memory_space<hbm>>
    %dma_wait3A_262 = arith.constant 0 : i32
    %dma_wait3A_263 = tpu.memref_slice %arg3[%dma_wait3A_258, %add3A_257, %dma_wait3A_262] : memref<4x8192x1024xf32, #tpu.memory_space<hbm>> -> memref<1x32x1024xf32, #tpu.memory_space<hbm>>
    %dma_wait3A_264 = tpu.memref_squeeze %dma_wait3A_263 : memref<1x32x1024xf32, #tpu.memory_space<hbm>> -> memref<32x1024xf32, #tpu.memory_space<hbm>>
    tpu.wait_dma2 semaphore(%arg7 : memref<!tpu.dma_semaphore, #tpu.memory_space<semaphore_mem>>) src(%arg4 : memref<32x1024xf32, #tpu.memory_space<vmem>>) dst(%dma_wait3A_264 : memref<32x1024xf32, #tpu.memory_space<hbm>>)
    %add3A_265 = arith.constant 128 : i32
    %add3A_266 = arith.addi %mul3A_2, %add3A_265 : i32
    %dma_start3A_267 = arith.constant 0 : i32
    %dma_start3A_268 = tpu.memref_slice %arg2[%add3A_266, %dma_start3A_267] : memref<8192x1024xf32, #tpu.memory_space<hbm>> -> memref<32x1024xf32, #tpu.memory_space<hbm>>
    %dma_start3A_269 = arith.constant 0 : i32
    %dma_start3A_270 = tpu.memref_slice %arg2[%add3A_266, %dma_start3A_269] : memref<8192x1024xf32, #tpu.memory_space<hbm>> -> memref<32x1024xf32, #tpu.memory_space<hbm>>
    tpu.enqueue_dma source(%dma_start3A_270 : memref<32x1024xf32, #tpu.memory_space<hbm>>) target(%arg4 : memref<32x1024xf32, #tpu.memory_space<vmem>>) target_semaphore(%arg6 : memref<!tpu.dma_semaphore, #tpu.memory_space<semaphore_mem>>)
    %add3A_271 = arith.constant 96 : i32
    %add3A_272 = arith.addi %mul3A_2, %add3A_271 : i32
    %dma_start3A_273 = arith.constant 0 : i32
    %dma_start3A_274 = arith.constant 0 : i32
    %dma_start3A_275 = tpu.memref_slice %arg3[%dma_start3A_273, %add3A_272, %dma_start3A_274] : memref<4x8192x1024xf32, #tpu.memory_space<hbm>> -> memref<1x32x1024xf32, #tpu.memory_space<hbm>>
    %dma_start3A_276 = tpu.memref_squeeze %dma_start3A_275 : memref<1x32x1024xf32, #tpu.memory_space<hbm>> -> memref<32x1024xf32, #tpu.memory_space<hbm>>
    %dma_start3A_277 = arith.constant 0 : i32
    %dma_start3A_278 = tpu.memref_slice %arg3[%dma_start3A_273, %add3A_272, %dma_start3A_277] : memref<4x8192x1024xf32, #tpu.memory_space<hbm>> -> memref<1x32x1024xf32, #tpu.memory_space<hbm>>
    %dma_start3A_279 = tpu.memref_squeeze %dma_start3A_278 : memref<1x32x1024xf32, #tpu.memory_space<hbm>> -> memref<32x1024xf32, #tpu.memory_space<hbm>>
    tpu.enqueue_dma source(%arg5 : memref<32x1024xf32, #tpu.memory_space<vmem>>) target(%dma_start3A_279 : memref<32x1024xf32, #tpu.memory_space<hbm>>) target_semaphore(%arg7 : memref<!tpu.dma_semaphore, #tpu.memory_space<semaphore_mem>>)
    %add3A_280 = arith.constant 96 : i32
    %add3A_281 = arith.addi %mul3A_2, %add3A_280 : i32
    %dma_start3A_282 = arith.constant 1 : i32
    %dma_start3A_283 = arith.constant 0 : i32
    %dma_start3A_284 = tpu.memref_slice %arg3[%dma_start3A_282, %add3A_281, %dma_start3A_283] : memref<4x8192x1024xf32, #tpu.memory_space<hbm>> -> memref<1x32x1024xf32, #tpu.memory_space<hbm>>
    %dma_start3A_285 = tpu.memref_squeeze %dma_start3A_284 : memref<1x32x1024xf32, #tpu.memory_space<hbm>> -> memref<32x1024xf32, #tpu.memory_space<hbm>>
    %dma_start3A_286 = arith.constant 0 : i32
    %dma_start3A_287 = tpu.memref_slice %arg3[%dma_start3A_282, %add3A_281, %dma_start3A_286] : memref<4x8192x1024xf32, #tpu.memory_space<hbm>> -> memref<1x32x1024xf32, #tpu.memory_space<hbm>>
    %dma_start3A_288 = tpu.memref_squeeze %dma_start3A_287 : memref<1x32x1024xf32, #tpu.memory_space<hbm>> -> memref<32x1024xf32, #tpu.memory_space<hbm>>
    tpu.enqueue_dma source(%arg5 : memref<32x1024xf32, #tpu.memory_space<vmem>>) target(%dma_start3A_288 : memref<32x1024xf32, #tpu.memory_space<hbm>>) target_semaphore(%arg7 : memref<!tpu.dma_semaphore, #tpu.memory_space<semaphore_mem>>)
    %add3A_289 = arith.constant 96 : i32
    %add3A_290 = arith.addi %mul3A_2, %add3A_289 : i32
    %dma_start3A_291 = arith.constant 2 : i32
    %dma_start3A_292 = arith.constant 0 : i32
    %dma_start3A_293 = tpu.memref_slice %arg3[%dma_start3A_291, %add3A_290, %dma_start3A_292] : memref<4x8192x1024xf32, #tpu.memory_space<hbm>> -> memref<1x32x1024xf32, #tpu.memory_space<hbm>>
    %dma_start3A_294 = tpu.memref_squeeze %dma_start3A_293 : memref<1x32x1024xf32, #tpu.memory_space<hbm>> -> memref<32x1024xf32, #tpu.memory_space<hbm>>
    %dma_start3A_295 = arith.constant 0 : i32
    %dma_start3A_296 = tpu.memref_slice %arg3[%dma_start3A_291, %add3A_290, %dma_start3A_295] : memref<4x8192x1024xf32, #tpu.memory_space<hbm>> -> memref<1x32x1024xf32, #tpu.memory_space<hbm>>
    %dma_start3A_297 = tpu.memref_squeeze %dma_start3A_296 : memref<1x32x1024xf32, #tpu.memory_space<hbm>> -> memref<32x1024xf32, #tpu.memory_space<hbm>>
    tpu.enqueue_dma source(%arg5 : memref<32x1024xf32, #tpu.memory_space<vmem>>) target(%dma_start3A_297 : memref<32x1024xf32, #tpu.memory_space<hbm>>) target_semaphore(%arg7 : memref<!tpu.dma_semaphore, #tpu.memory_space<semaphore_mem>>)
    %add3A_298 = arith.constant 96 : i32
    %add3A_299 = arith.addi %mul3A_2, %add3A_298 : i32
    %dma_start3A_300 = arith.constant 3 : i32
    %dma_start3A_301 = arith.constant 0 : i32
    %dma_start3A_302 = tpu.memref_slice %arg3[%dma_start3A_300, %add3A_299, %dma_start3A_301] : memref<4x8192x1024xf32, #tpu.memory_space<hbm>> -> memref<1x32x1024xf32, #tpu.memory_space<hbm>>
    %dma_start3A_303 = tpu.memref_squeeze %dma_start3A_302 : memref<1x32x1024xf32, #tpu.memory_space<hbm>> -> memref<32x1024xf32, #tpu.memory_space<hbm>>
    %dma_start3A_304 = arith.constant 0 : i32
    %dma_start3A_305 = tpu.memref_slice %arg3[%dma_start3A_300, %add3A_299, %dma_start3A_304] : memref<4x8192x1024xf32, #tpu.memory_space<hbm>> -> memref<1x32x1024xf32, #tpu.memory_space<hbm>>
    %dma_start3A_306 = tpu.memref_squeeze %dma_start3A_305 : memref<1x32x1024xf32, #tpu.memory_space<hbm>> -> memref<32x1024xf32, #tpu.memory_space<hbm>>
    tpu.enqueue_dma source(%arg5 : memref<32x1024xf32, #tpu.memory_space<vmem>>) target(%dma_start3A_306 : memref<32x1024xf32, #tpu.memory_space<hbm>>) target_semaphore(%arg7 : memref<!tpu.dma_semaphore, #tpu.memory_space<semaphore_mem>>)
    %add3A_307 = arith.constant 128 : i32
    %add3A_308 = arith.addi %mul3A_2, %add3A_307 : i32
    %dma_wait3A_309 = arith.constant 0 : i32
    %dma_wait3A_310 = tpu.memref_slice %arg2[%add3A_308, %dma_wait3A_309] : memref<8192x1024xf32, #tpu.memory_space<hbm>> -> memref<32x1024xf32, #tpu.memory_space<hbm>>
    %dma_wait3A_311 = arith.constant 0 : i32
    %dma_wait3A_312 = tpu.memref_slice %arg2[%add3A_308, %dma_wait3A_311] : memref<8192x1024xf32, #tpu.memory_space<hbm>> -> memref<32x1024xf32, #tpu.memory_space<hbm>>
    tpu.wait_dma2 semaphore(%arg6 : memref<!tpu.dma_semaphore, #tpu.memory_space<semaphore_mem>>) src(%dma_wait3A_312 : memref<32x1024xf32, #tpu.memory_space<hbm>>) dst(%arg4 : memref<32x1024xf32, #tpu.memory_space<vmem>>)
    %add3A_313 = arith.constant 96 : i32
    %add3A_314 = arith.addi %mul3A_2, %add3A_313 : i32
    %dma_wait3A_315 = arith.constant 0 : i32
    %dma_wait3A_316 = arith.constant 0 : i32
    %dma_wait3A_317 = tpu.memref_slice %arg3[%dma_wait3A_315, %add3A_314, %dma_wait3A_316] : memref<4x8192x1024xf32, #tpu.memory_space<hbm>> -> memref<1x32x1024xf32, #tpu.memory_space<hbm>>
    %dma_wait3A_318 = tpu.memref_squeeze %dma_wait3A_317 : memref<1x32x1024xf32, #tpu.memory_space<hbm>> -> memref<32x1024xf32, #tpu.memory_space<hbm>>
    %dma_wait3A_319 = arith.constant 0 : i32
    %dma_wait3A_320 = tpu.memref_slice %arg3[%dma_wait3A_315, %add3A_314, %dma_wait3A_319] : memref<4x8192x1024xf32, #tpu.memory_space<hbm>> -> memref<1x32x1024xf32, #tpu.memory_space<hbm>>
    %dma_wait3A_321 = tpu.memref_squeeze %dma_wait3A_320 : memref<1x32x1024xf32, #tpu.memory_space<hbm>> -> memref<32x1024xf32, #tpu.memory_space<hbm>>
    tpu.wait_dma2 semaphore(%arg7 : memref<!tpu.dma_semaphore, #tpu.memory_space<semaphore_mem>>) src(%arg5 : memref<32x1024xf32, #tpu.memory_space<vmem>>) dst(%dma_wait3A_321 : memref<32x1024xf32, #tpu.memory_space<hbm>>)
    %add3A_322 = arith.constant 96 : i32
    %add3A_323 = arith.addi %mul3A_2, %add3A_322 : i32
    %dma_wait3A_324 = arith.constant 1 : i32
    %dma_wait3A_325 = arith.constant 0 : i32
    %dma_wait3A_326 = tpu.memref_slice %arg3[%dma_wait3A_324, %add3A_323, %dma_wait3A_325] : memref<4x8192x1024xf32, #tpu.memory_space<hbm>> -> memref<1x32x1024xf32, #tpu.memory_space<hbm>>
    %dma_wait3A_327 = tpu.memref_squeeze %dma_wait3A_326 : memref<1x32x1024xf32, #tpu.memory_space<hbm>> -> memref<32x1024xf32, #tpu.memory_space<hbm>>
    %dma_wait3A_328 = arith.constant 0 : i32
    %dma_wait3A_329 = tpu.memref_slice %arg3[%dma_wait3A_324, %add3A_323, %dma_wait3A_328] : memref<4x8192x1024xf32, #tpu.memory_space<hbm>> -> memref<1x32x1024xf32, #tpu.memory_space<hbm>>
    %dma_wait3A_330 = tpu.memref_squeeze %dma_wait3A_329 : memref<1x32x1024xf32, #tpu.memory_space<hbm>> -> memref<32x1024xf32, #tpu.memory_space<hbm>>
    tpu.wait_dma2 semaphore(%arg7 : memref<!tpu.dma_semaphore, #tpu.memory_space<semaphore_mem>>) src(%arg5 : memref<32x1024xf32, #tpu.memory_space<vmem>>) dst(%dma_wait3A_330 : memref<32x1024xf32, #tpu.memory_space<hbm>>)
    %add3A_331 = arith.constant 96 : i32
    %add3A_332 = arith.addi %mul3A_2, %add3A_331 : i32
    %dma_wait3A_333 = arith.constant 2 : i32
    %dma_wait3A_334 = arith.constant 0 : i32
    %dma_wait3A_335 = tpu.memref_slice %arg3[%dma_wait3A_333, %add3A_332, %dma_wait3A_334] : memref<4x8192x1024xf32, #tpu.memory_space<hbm>> -> memref<1x32x1024xf32, #tpu.memory_space<hbm>>
    %dma_wait3A_336 = tpu.memref_squeeze %dma_wait3A_335 : memref<1x32x1024xf32, #tpu.memory_space<hbm>> -> memref<32x1024xf32, #tpu.memory_space<hbm>>
    %dma_wait3A_337 = arith.constant 0 : i32
    %dma_wait3A_338 = tpu.memref_slice %arg3[%dma_wait3A_333, %add3A_332, %dma_wait3A_337] : memref<4x8192x1024xf32, #tpu.memory_space<hbm>> -> memref<1x32x1024xf32, #tpu.memory_space<hbm>>
    %dma_wait3A_339 = tpu.memref_squeeze %dma_wait3A_338 : memref<1x32x1024xf32, #tpu.memory_space<hbm>> -> memref<32x1024xf32, #tpu.memory_space<hbm>>
    tpu.wait_dma2 semaphore(%arg7 : memref<!tpu.dma_semaphore, #tpu.memory_space<semaphore_mem>>) src(%arg5 : memref<32x1024xf32, #tpu.memory_space<vmem>>) dst(%dma_wait3A_339 : memref<32x1024xf32, #tpu.memory_space<hbm>>)
    %add3A_340 = arith.constant 96 : i32
    %add3A_341 = arith.addi %mul3A_2, %add3A_340 : i32
    %dma_wait3A_342 = arith.constant 3 : i32
    %dma_wait3A_343 = arith.constant 0 : i32
    %dma_wait3A_344 = tpu.memref_slice %arg3[%dma_wait3A_342, %add3A_341, %dma_wait3A_343] : memref<4x8192x1024xf32, #tpu.memory_space<hbm>> -> memref<1x32x1024xf32, #tpu.memory_space<hbm>>
    %dma_wait3A_345 = tpu.memref_squeeze %dma_wait3A_344 : memref<1x32x1024xf32, #tpu.memory_space<hbm>> -> memref<32x1024xf32, #tpu.memory_space<hbm>>
    %dma_wait3A_346 = arith.constant 0 : i32
    %dma_wait3A_347 = tpu.memref_slice %arg3[%dma_wait3A_342, %add3A_341, %dma_wait3A_346] : memref<4x8192x1024xf32, #tpu.memory_space<hbm>> -> memref<1x32x1024xf32, #tpu.memory_space<hbm>>
    %dma_wait3A_348 = tpu.memref_squeeze %dma_wait3A_347 : memref<1x32x1024xf32, #tpu.memory_space<hbm>> -> memref<32x1024xf32, #tpu.memory_space<hbm>>
    tpu.wait_dma2 semaphore(%arg7 : memref<!tpu.dma_semaphore, #tpu.memory_space<semaphore_mem>>) src(%arg5 : memref<32x1024xf32, #tpu.memory_space<vmem>>) dst(%dma_wait3A_348 : memref<32x1024xf32, #tpu.memory_space<hbm>>)
    %add3A_349 = arith.constant 160 : i32
    %add3A_350 = arith.addi %mul3A_2, %add3A_349 : i32
    %dma_start3A_351 = arith.constant 0 : i32
    %dma_start3A_352 = tpu.memref_slice %arg2[%add3A_350, %dma_start3A_351] : memref<8192x1024xf32, #tpu.memory_space<hbm>> -> memref<32x1024xf32, #tpu.memory_space<hbm>>
    %dma_start3A_353 = arith.constant 0 : i32
    %dma_start3A_354 = tpu.memref_slice %arg2[%add3A_350, %dma_start3A_353] : memref<8192x1024xf32, #tpu.memory_space<hbm>> -> memref<32x1024xf32, #tpu.memory_space<hbm>>
    tpu.enqueue_dma source(%dma_start3A_354 : memref<32x1024xf32, #tpu.memory_space<hbm>>) target(%arg5 : memref<32x1024xf32, #tpu.memory_space<vmem>>) target_semaphore(%arg6 : memref<!tpu.dma_semaphore, #tpu.memory_space<semaphore_mem>>)
    %add3A_355 = arith.constant 128 : i32
    %add3A_356 = arith.addi %mul3A_2, %add3A_355 : i32
    %dma_start3A_357 = arith.constant 0 : i32
    %dma_start3A_358 = arith.constant 0 : i32
    %dma_start3A_359 = tpu.memref_slice %arg3[%dma_start3A_357, %add3A_356, %dma_start3A_358] : memref<4x8192x1024xf32, #tpu.memory_space<hbm>> -> memref<1x32x1024xf32, #tpu.memory_space<hbm>>
    %dma_start3A_360 = tpu.memref_squeeze %dma_start3A_359 : memref<1x32x1024xf32, #tpu.memory_space<hbm>> -> memref<32x1024xf32, #tpu.memory_space<hbm>>
    %dma_start3A_361 = arith.constant 0 : i32
    %dma_start3A_362 = tpu.memref_slice %arg3[%dma_start3A_357, %add3A_356, %dma_start3A_361] : memref<4x8192x1024xf32, #tpu.memory_space<hbm>> -> memref<1x32x1024xf32, #tpu.memory_space<hbm>>
    %dma_start3A_363 = tpu.memref_squeeze %dma_start3A_362 : memref<1x32x1024xf32, #tpu.memory_space<hbm>> -> memref<32x1024xf32, #tpu.memory_space<hbm>>
    tpu.enqueue_dma source(%arg4 : memref<32x1024xf32, #tpu.memory_space<vmem>>) target(%dma_start3A_363 : memref<32x1024xf32, #tpu.memory_space<hbm>>) target_semaphore(%arg7 : memref<!tpu.dma_semaphore, #tpu.memory_space<semaphore_mem>>)
    %add3A_364 = arith.constant 128 : i32
    %add3A_365 = arith.addi %mul3A_2, %add3A_364 : i32
    %dma_start3A_366 = arith.constant 1 : i32
    %dma_start3A_367 = arith.constant 0 : i32
    %dma_start3A_368 = tpu.memref_slice %arg3[%dma_start3A_366, %add3A_365, %dma_start3A_367] : memref<4x8192x1024xf32, #tpu.memory_space<hbm>> -> memref<1x32x1024xf32, #tpu.memory_space<hbm>>
    %dma_start3A_369 = tpu.memref_squeeze %dma_start3A_368 : memref<1x32x1024xf32, #tpu.memory_space<hbm>> -> memref<32x1024xf32, #tpu.memory_space<hbm>>
    %dma_start3A_370 = arith.constant 0 : i32
    %dma_start3A_371 = tpu.memref_slice %arg3[%dma_start3A_366, %add3A_365, %dma_start3A_370] : memref<4x8192x1024xf32, #tpu.memory_space<hbm>> -> memref<1x32x1024xf32, #tpu.memory_space<hbm>>
    %dma_start3A_372 = tpu.memref_squeeze %dma_start3A_371 : memref<1x32x1024xf32, #tpu.memory_space<hbm>> -> memref<32x1024xf32, #tpu.memory_space<hbm>>
    tpu.enqueue_dma source(%arg4 : memref<32x1024xf32, #tpu.memory_space<vmem>>) target(%dma_start3A_372 : memref<32x1024xf32, #tpu.memory_space<hbm>>) target_semaphore(%arg7 : memref<!tpu.dma_semaphore, #tpu.memory_space<semaphore_mem>>)
    %add3A_373 = arith.constant 128 : i32
    %add3A_374 = arith.addi %mul3A_2, %add3A_373 : i32
    %dma_start3A_375 = arith.constant 2 : i32
    %dma_start3A_376 = arith.constant 0 : i32
    %dma_start3A_377 = tpu.memref_slice %arg3[%dma_start3A_375, %add3A_374, %dma_start3A_376] : memref<4x8192x1024xf32, #tpu.memory_space<hbm>> -> memref<1x32x1024xf32, #tpu.memory_space<hbm>>
    %dma_start3A_378 = tpu.memref_squeeze %dma_start3A_377 : memref<1x32x1024xf32, #tpu.memory_space<hbm>> -> memref<32x1024xf32, #tpu.memory_space<hbm>>
    %dma_start3A_379 = arith.constant 0 : i32
    %dma_start3A_380 = tpu.memref_slice %arg3[%dma_start3A_375, %add3A_374, %dma_start3A_379] : memref<4x8192x1024xf32, #tpu.memory_space<hbm>> -> memref<1x32x1024xf32, #tpu.memory_space<hbm>>
    %dma_start3A_381 = tpu.memref_squeeze %dma_start3A_380 : memref<1x32x1024xf32, #tpu.memory_space<hbm>> -> memref<32x1024xf32, #tpu.memory_space<hbm>>
    tpu.enqueue_dma source(%arg4 : memref<32x1024xf32, #tpu.memory_space<vmem>>) target(%dma_start3A_381 : memref<32x1024xf32, #tpu.memory_space<hbm>>) target_semaphore(%arg7 : memref<!tpu.dma_semaphore, #tpu.memory_space<semaphore_mem>>)
    %add3A_382 = arith.constant 128 : i32
    %add3A_383 = arith.addi %mul3A_2, %add3A_382 : i32
    %dma_start3A_384 = arith.constant 3 : i32
    %dma_start3A_385 = arith.constant 0 : i32
    %dma_start3A_386 = tpu.memref_slice %arg3[%dma_start3A_384, %add3A_383, %dma_start3A_385] : memref<4x8192x1024xf32, #tpu.memory_space<hbm>> -> memref<1x32x1024xf32, #tpu.memory_space<hbm>>
    %dma_start3A_387 = tpu.memref_squeeze %dma_start3A_386 : memref<1x32x1024xf32, #tpu.memory_space<hbm>> -> memref<32x1024xf32, #tpu.memory_space<hbm>>
    %dma_start3A_388 = arith.constant 0 : i32
    %dma_start3A_389 = tpu.memref_slice %arg3[%dma_start3A_384, %add3A_383, %dma_start3A_388] : memref<4x8192x1024xf32, #tpu.memory_space<hbm>> -> memref<1x32x1024xf32, #tpu.memory_space<hbm>>
    %dma_start3A_390 = tpu.memref_squeeze %dma_start3A_389 : memref<1x32x1024xf32, #tpu.memory_space<hbm>> -> memref<32x1024xf32, #tpu.memory_space<hbm>>
    tpu.enqueue_dma source(%arg4 : memref<32x1024xf32, #tpu.memory_space<vmem>>) target(%dma_start3A_390 : memref<32x1024xf32, #tpu.memory_space<hbm>>) target_semaphore(%arg7 : memref<!tpu.dma_semaphore, #tpu.memory_space<semaphore_mem>>)
    %add3A_391 = arith.constant 160 : i32
    %add3A_392 = arith.addi %mul3A_2, %add3A_391 : i32
    %dma_wait3A_393 = arith.constant 0 : i32
    %dma_wait3A_394 = tpu.memref_slice %arg2[%add3A_392, %dma_wait3A_393] : memref<8192x1024xf32, #tpu.memory_space<hbm>> -> memref<32x1024xf32, #tpu.memory_space<hbm>>
    %dma_wait3A_395 = arith.constant 0 : i32
    %dma_wait3A_396 = tpu.memref_slice %arg2[%add3A_392, %dma_wait3A_395] : memref<8192x1024xf32, #tpu.memory_space<hbm>> -> memref<32x1024xf32, #tpu.memory_space<hbm>>
    tpu.wait_dma2 semaphore(%arg6 : memref<!tpu.dma_semaphore, #tpu.memory_space<semaphore_mem>>) src(%dma_wait3A_396 : memref<32x1024xf32, #tpu.memory_space<hbm>>) dst(%arg5 : memref<32x1024xf32, #tpu.memory_space<vmem>>)
    %add3A_397 = arith.constant 128 : i32
    %add3A_398 = arith.addi %mul3A_2, %add3A_397 : i32
    %dma_wait3A_399 = arith.constant 0 : i32
    %dma_wait3A_400 = arith.constant 0 : i32
    %dma_wait3A_401 = tpu.memref_slice %arg3[%dma_wait3A_399, %add3A_398, %dma_wait3A_400] : memref<4x8192x1024xf32, #tpu.memory_space<hbm>> -> memref<1x32x1024xf32, #tpu.memory_space<hbm>>
    %dma_wait3A_402 = tpu.memref_squeeze %dma_wait3A_401 : memref<1x32x1024xf32, #tpu.memory_space<hbm>> -> memref<32x1024xf32, #tpu.memory_space<hbm>>
    %dma_wait3A_403 = arith.constant 0 : i32
    %dma_wait3A_404 = tpu.memref_slice %arg3[%dma_wait3A_399, %add3A_398, %dma_wait3A_403] : memref<4x8192x1024xf32, #tpu.memory_space<hbm>> -> memref<1x32x1024xf32, #tpu.memory_space<hbm>>
    %dma_wait3A_405 = tpu.memref_squeeze %dma_wait3A_404 : memref<1x32x1024xf32, #tpu.memory_space<hbm>> -> memref<32x1024xf32, #tpu.memory_space<hbm>>
    tpu.wait_dma2 semaphore(%arg7 : memref<!tpu.dma_semaphore, #tpu.memory_space<semaphore_mem>>) src(%arg4 : memref<32x1024xf32, #tpu.memory_space<vmem>>) dst(%dma_wait3A_405 : memref<32x1024xf32, #tpu.memory_space<hbm>>)
    %add3A_406 = arith.constant 128 : i32
    %add3A_407 = arith.addi %mul3A_2, %add3A_406 : i32
    %dma_wait3A_408 = arith.constant 1 : i32
    %dma_wait3A_409 = arith.constant 0 : i32
    %dma_wait3A_410 = tpu.memref_slice %arg3[%dma_wait3A_408, %add3A_407, %dma_wait3A_409] : memref<4x8192x1024xf32, #tpu.memory_space<hbm>> -> memref<1x32x1024xf32, #tpu.memory_space<hbm>>
    %dma_wait3A_411 = tpu.memref_squeeze %dma_wait3A_410 : memref<1x32x1024xf32, #tpu.memory_space<hbm>> -> memref<32x1024xf32, #tpu.memory_space<hbm>>
    %dma_wait3A_412 = arith.constant 0 : i32
    %dma_wait3A_413 = tpu.memref_slice %arg3[%dma_wait3A_408, %add3A_407, %dma_wait3A_412] : memref<4x8192x1024xf32, #tpu.memory_space<hbm>> -> memref<1x32x1024xf32, #tpu.memory_space<hbm>>
    %dma_wait3A_414 = tpu.memref_squeeze %dma_wait3A_413 : memref<1x32x1024xf32, #tpu.memory_space<hbm>> -> memref<32x1024xf32, #tpu.memory_space<hbm>>
    tpu.wait_dma2 semaphore(%arg7 : memref<!tpu.dma_semaphore, #tpu.memory_space<semaphore_mem>>) src(%arg4 : memref<32x1024xf32, #tpu.memory_space<vmem>>) dst(%dma_wait3A_414 : memref<32x1024xf32, #tpu.memory_space<hbm>>)
    %add3A_415 = arith.constant 128 : i32
    %add3A_416 = arith.addi %mul3A_2, %add3A_415 : i32
    %dma_wait3A_417 = arith.constant 2 : i32
    %dma_wait3A_418 = arith.constant 0 : i32
    %dma_wait3A_419 = tpu.memref_slice %arg3[%dma_wait3A_417, %add3A_416, %dma_wait3A_418] : memref<4x8192x1024xf32, #tpu.memory_space<hbm>> -> memref<1x32x1024xf32, #tpu.memory_space<hbm>>
    %dma_wait3A_420 = tpu.memref_squeeze %dma_wait3A_419 : memref<1x32x1024xf32, #tpu.memory_space<hbm>> -> memref<32x1024xf32, #tpu.memory_space<hbm>>
    %dma_wait3A_421 = arith.constant 0 : i32
    %dma_wait3A_422 = tpu.memref_slice %arg3[%dma_wait3A_417, %add3A_416, %dma_wait3A_421] : memref<4x8192x1024xf32, #tpu.memory_space<hbm>> -> memref<1x32x1024xf32, #tpu.memory_space<hbm>>
    %dma_wait3A_423 = tpu.memref_squeeze %dma_wait3A_422 : memref<1x32x1024xf32, #tpu.memory_space<hbm>> -> memref<32x1024xf32, #tpu.memory_space<hbm>>
    tpu.wait_dma2 semaphore(%arg7 : memref<!tpu.dma_semaphore, #tpu.memory_space<semaphore_mem>>) src(%arg4 : memref<32x1024xf32, #tpu.memory_space<vmem>>) dst(%dma_wait3A_423 : memref<32x1024xf32, #tpu.memory_space<hbm>>)
    %add3A_424 = arith.constant 128 : i32
    %add3A_425 = arith.addi %mul3A_2, %add3A_424 : i32
    %dma_wait3A_426 = arith.constant 3 : i32
    %dma_wait3A_427 = arith.constant 0 : i32
    %dma_wait3A_428 = tpu.memref_slice %arg3[%dma_wait3A_426, %add3A_425, %dma_wait3A_427] : memref<4x8192x1024xf32, #tpu.memory_space<hbm>> -> memref<1x32x1024xf32, #tpu.memory_space<hbm>>
    %dma_wait3A_429 = tpu.memref_squeeze %dma_wait3A_428 : memref<1x32x1024xf32, #tpu.memory_space<hbm>> -> memref<32x1024xf32, #tpu.memory_space<hbm>>
    %dma_wait3A_430 = arith.constant 0 : i32
    %dma_wait3A_431 = tpu.memref_slice %arg3[%dma_wait3A_426, %add3A_425, %dma_wait3A_430] : memref<4x8192x1024xf32, #tpu.memory_space<hbm>> -> memref<1x32x1024xf32, #tpu.memory_space<hbm>>
    %dma_wait3A_432 = tpu.memref_squeeze %dma_wait3A_431 : memref<1x32x1024xf32, #tpu.memory_space<hbm>> -> memref<32x1024xf32, #tpu.memory_space<hbm>>
    tpu.wait_dma2 semaphore(%arg7 : memref<!tpu.dma_semaphore, #tpu.memory_space<semaphore_mem>>) src(%arg4 : memref<32x1024xf32, #tpu.memory_space<vmem>>) dst(%dma_wait3A_432 : memref<32x1024xf32, #tpu.memory_space<hbm>>)
    %add3A_433 = arith.constant 192 : i32
    %add3A_434 = arith.addi %mul3A_2, %add3A_433 : i32
    %dma_start3A_435 = arith.constant 0 : i32
    %dma_start3A_436 = tpu.memref_slice %arg2[%add3A_434, %dma_start3A_435] : memref<8192x1024xf32, #tpu.memory_space<hbm>> -> memref<32x1024xf32, #tpu.memory_space<hbm>>
    %dma_start3A_437 = arith.constant 0 : i32
    %dma_start3A_438 = tpu.memref_slice %arg2[%add3A_434, %dma_start3A_437] : memref<8192x1024xf32, #tpu.memory_space<hbm>> -> memref<32x1024xf32, #tpu.memory_space<hbm>>
    tpu.enqueue_dma source(%dma_start3A_438 : memref<32x1024xf32, #tpu.memory_space<hbm>>) target(%arg4 : memref<32x1024xf32, #tpu.memory_space<vmem>>) target_semaphore(%arg6 : memref<!tpu.dma_semaphore, #tpu.memory_space<semaphore_mem>>)
    %add3A_439 = arith.constant 160 : i32
    %add3A_440 = arith.addi %mul3A_2, %add3A_439 : i32
    %dma_start3A_441 = arith.constant 0 : i32
    %dma_start3A_442 = arith.constant 0 : i32
    %dma_start3A_443 = tpu.memref_slice %arg3[%dma_start3A_441, %add3A_440, %dma_start3A_442] : memref<4x8192x1024xf32, #tpu.memory_space<hbm>> -> memref<1x32x1024xf32, #tpu.memory_space<hbm>>
    %dma_start3A_444 = tpu.memref_squeeze %dma_start3A_443 : memref<1x32x1024xf32, #tpu.memory_space<hbm>> -> memref<32x1024xf32, #tpu.memory_space<hbm>>
    %dma_start3A_445 = arith.constant 0 : i32
    %dma_start3A_446 = tpu.memref_slice %arg3[%dma_start3A_441, %add3A_440, %dma_start3A_445] : memref<4x8192x1024xf32, #tpu.memory_space<hbm>> -> memref<1x32x1024xf32, #tpu.memory_space<hbm>>
    %dma_start3A_447 = tpu.memref_squeeze %dma_start3A_446 : memref<1x32x1024xf32, #tpu.memory_space<hbm>> -> memref<32x1024xf32, #tpu.memory_space<hbm>>
    tpu.enqueue_dma source(%arg5 : memref<32x1024xf32, #tpu.memory_space<vmem>>) target(%dma_start3A_447 : memref<32x1024xf32, #tpu.memory_space<hbm>>) target_semaphore(%arg7 : memref<!tpu.dma_semaphore, #tpu.memory_space<semaphore_mem>>)
    %add3A_448 = arith.constant 160 : i32
    %add3A_449 = arith.addi %mul3A_2, %add3A_448 : i32
    %dma_start3A_450 = arith.constant 1 : i32
    %dma_start3A_451 = arith.constant 0 : i32
    %dma_start3A_452 = tpu.memref_slice %arg3[%dma_start3A_450, %add3A_449, %dma_start3A_451] : memref<4x8192x1024xf32, #tpu.memory_space<hbm>> -> memref<1x32x1024xf32, #tpu.memory_space<hbm>>
    %dma_start3A_453 = tpu.memref_squeeze %dma_start3A_452 : memref<1x32x1024xf32, #tpu.memory_space<hbm>> -> memref<32x1024xf32, #tpu.memory_space<hbm>>
    %dma_start3A_454 = arith.constant 0 : i32
    %dma_start3A_455 = tpu.memref_slice %arg3[%dma_start3A_450, %add3A_449, %dma_start3A_454] : memref<4x8192x1024xf32, #tpu.memory_space<hbm>> -> memref<1x32x1024xf32, #tpu.memory_space<hbm>>
    %dma_start3A_456 = tpu.memref_squeeze %dma_start3A_455 : memref<1x32x1024xf32, #tpu.memory_space<hbm>> -> memref<32x1024xf32, #tpu.memory_space<hbm>>
    tpu.enqueue_dma source(%arg5 : memref<32x1024xf32, #tpu.memory_space<vmem>>) target(%dma_start3A_456 : memref<32x1024xf32, #tpu.memory_space<hbm>>) target_semaphore(%arg7 : memref<!tpu.dma_semaphore, #tpu.memory_space<semaphore_mem>>)
    %add3A_457 = arith.constant 160 : i32
    %add3A_458 = arith.addi %mul3A_2, %add3A_457 : i32
    %dma_start3A_459 = arith.constant 2 : i32
    %dma_start3A_460 = arith.constant 0 : i32
    %dma_start3A_461 = tpu.memref_slice %arg3[%dma_start3A_459, %add3A_458, %dma_start3A_460] : memref<4x8192x1024xf32, #tpu.memory_space<hbm>> -> memref<1x32x1024xf32, #tpu.memory_space<hbm>>
    %dma_start3A_462 = tpu.memref_squeeze %dma_start3A_461 : memref<1x32x1024xf32, #tpu.memory_space<hbm>> -> memref<32x1024xf32, #tpu.memory_space<hbm>>
    %dma_start3A_463 = arith.constant 0 : i32
    %dma_start3A_464 = tpu.memref_slice %arg3[%dma_start3A_459, %add3A_458, %dma_start3A_463] : memref<4x8192x1024xf32, #tpu.memory_space<hbm>> -> memref<1x32x1024xf32, #tpu.memory_space<hbm>>
    %dma_start3A_465 = tpu.memref_squeeze %dma_start3A_464 : memref<1x32x1024xf32, #tpu.memory_space<hbm>> -> memref<32x1024xf32, #tpu.memory_space<hbm>>
    tpu.enqueue_dma source(%arg5 : memref<32x1024xf32, #tpu.memory_space<vmem>>) target(%dma_start3A_465 : memref<32x1024xf32, #tpu.memory_space<hbm>>) target_semaphore(%arg7 : memref<!tpu.dma_semaphore, #tpu.memory_space<semaphore_mem>>)
    %add3A_466 = arith.constant 160 : i32
    %add3A_467 = arith.addi %mul3A_2, %add3A_466 : i32
    %dma_start3A_468 = arith.constant 3 : i32
    %dma_start3A_469 = arith.constant 0 : i32
    %dma_start3A_470 = tpu.memref_slice %arg3[%dma_start3A_468, %add3A_467, %dma_start3A_469] : memref<4x8192x1024xf32, #tpu.memory_space<hbm>> -> memref<1x32x1024xf32, #tpu.memory_space<hbm>>
    %dma_start3A_471 = tpu.memref_squeeze %dma_start3A_470 : memref<1x32x1024xf32, #tpu.memory_space<hbm>> -> memref<32x1024xf32, #tpu.memory_space<hbm>>
    %dma_start3A_472 = arith.constant 0 : i32
    %dma_start3A_473 = tpu.memref_slice %arg3[%dma_start3A_468, %add3A_467, %dma_start3A_472] : memref<4x8192x1024xf32, #tpu.memory_space<hbm>> -> memref<1x32x1024xf32, #tpu.memory_space<hbm>>
    %dma_start3A_474 = tpu.memref_squeeze %dma_start3A_473 : memref<1x32x1024xf32, #tpu.memory_space<hbm>> -> memref<32x1024xf32, #tpu.memory_space<hbm>>
    tpu.enqueue_dma source(%arg5 : memref<32x1024xf32, #tpu.memory_space<vmem>>) target(%dma_start3A_474 : memref<32x1024xf32, #tpu.memory_space<hbm>>) target_semaphore(%arg7 : memref<!tpu.dma_semaphore, #tpu.memory_space<semaphore_mem>>)
    %add3A_475 = arith.constant 192 : i32
    %add3A_476 = arith.addi %mul3A_2, %add3A_475 : i32
    %dma_wait3A_477 = arith.constant 0 : i32
    %dma_wait3A_478 = tpu.memref_slice %arg2[%add3A_476, %dma_wait3A_477] : memref<8192x1024xf32, #tpu.memory_space<hbm>> -> memref<32x1024xf32, #tpu.memory_space<hbm>>
    %dma_wait3A_479 = arith.constant 0 : i32
    %dma_wait3A_480 = tpu.memref_slice %arg2[%add3A_476, %dma_wait3A_479] : memref<8192x1024xf32, #tpu.memory_space<hbm>> -> memref<32x1024xf32, #tpu.memory_space<hbm>>
    tpu.wait_dma2 semaphore(%arg6 : memref<!tpu.dma_semaphore, #tpu.memory_space<semaphore_mem>>) src(%dma_wait3A_480 : memref<32x1024xf32, #tpu.memory_space<hbm>>) dst(%arg4 : memref<32x1024xf32, #tpu.memory_space<vmem>>)
    %add3A_481 = arith.constant 160 : i32
    %add3A_482 = arith.addi %mul3A_2, %add3A_481 : i32
    %dma_wait3A_483 = arith.constant 0 : i32
    %dma_wait3A_484 = arith.constant 0 : i32
    %dma_wait3A_485 = tpu.memref_slice %arg3[%dma_wait3A_483, %add3A_482, %dma_wait3A_484] : memref<4x8192x1024xf32, #tpu.memory_space<hbm>> -> memref<1x32x1024xf32, #tpu.memory_space<hbm>>
    %dma_wait3A_486 = tpu.memref_squeeze %dma_wait3A_485 : memref<1x32x1024xf32, #tpu.memory_space<hbm>> -> memref<32x1024xf32, #tpu.memory_space<hbm>>
    %dma_wait3A_487 = arith.constant 0 : i32
    %dma_wait3A_488 = tpu.memref_slice %arg3[%dma_wait3A_483, %add3A_482, %dma_wait3A_487] : memref<4x8192x1024xf32, #tpu.memory_space<hbm>> -> memref<1x32x1024xf32, #tpu.memory_space<hbm>>
    %dma_wait3A_489 = tpu.memref_squeeze %dma_wait3A_488 : memref<1x32x1024xf32, #tpu.memory_space<hbm>> -> memref<32x1024xf32, #tpu.memory_space<hbm>>
    tpu.wait_dma2 semaphore(%arg7 : memref<!tpu.dma_semaphore, #tpu.memory_space<semaphore_mem>>) src(%arg5 : memref<32x1024xf32, #tpu.memory_space<vmem>>) dst(%dma_wait3A_489 : memref<32x1024xf32, #tpu.memory_space<hbm>>)
    %add3A_490 = arith.constant 160 : i32
    %add3A_491 = arith.addi %mul3A_2, %add3A_490 : i32
    %dma_wait3A_492 = arith.constant 1 : i32
    %dma_wait3A_493 = arith.constant 0 : i32
    %dma_wait3A_494 = tpu.memref_slice %arg3[%dma_wait3A_492, %add3A_491, %dma_wait3A_493] : memref<4x8192x1024xf32, #tpu.memory_space<hbm>> -> memref<1x32x1024xf32, #tpu.memory_space<hbm>>
    %dma_wait3A_495 = tpu.memref_squeeze %dma_wait3A_494 : memref<1x32x1024xf32, #tpu.memory_space<hbm>> -> memref<32x1024xf32, #tpu.memory_space<hbm>>
    %dma_wait3A_496 = arith.constant 0 : i32
    %dma_wait3A_497 = tpu.memref_slice %arg3[%dma_wait3A_492, %add3A_491, %dma_wait3A_496] : memref<4x8192x1024xf32, #tpu.memory_space<hbm>> -> memref<1x32x1024xf32, #tpu.memory_space<hbm>>
    %dma_wait3A_498 = tpu.memref_squeeze %dma_wait3A_497 : memref<1x32x1024xf32, #tpu.memory_space<hbm>> -> memref<32x1024xf32, #tpu.memory_space<hbm>>
    tpu.wait_dma2 semaphore(%arg7 : memref<!tpu.dma_semaphore, #tpu.memory_space<semaphore_mem>>) src(%arg5 : memref<32x1024xf32, #tpu.memory_space<vmem>>) dst(%dma_wait3A_498 : memref<32x1024xf32, #tpu.memory_space<hbm>>)
    %add3A_499 = arith.constant 160 : i32
    %add3A_500 = arith.addi %mul3A_2, %add3A_499 : i32
    %dma_wait3A_501 = arith.constant 2 : i32
    %dma_wait3A_502 = arith.constant 0 : i32
    %dma_wait3A_503 = tpu.memref_slice %arg3[%dma_wait3A_501, %add3A_500, %dma_wait3A_502] : memref<4x8192x1024xf32, #tpu.memory_space<hbm>> -> memref<1x32x1024xf32, #tpu.memory_space<hbm>>
    %dma_wait3A_504 = tpu.memref_squeeze %dma_wait3A_503 : memref<1x32x1024xf32, #tpu.memory_space<hbm>> -> memref<32x1024xf32, #tpu.memory_space<hbm>>
    %dma_wait3A_505 = arith.constant 0 : i32
    %dma_wait3A_506 = tpu.memref_slice %arg3[%dma_wait3A_501, %add3A_500, %dma_wait3A_505] : memref<4x8192x1024xf32, #tpu.memory_space<hbm>> -> memref<1x32x1024xf32, #tpu.memory_space<hbm>>
    %dma_wait3A_507 = tpu.memref_squeeze %dma_wait3A_506 : memref<1x32x1024xf32, #tpu.memory_space<hbm>> -> memref<32x1024xf32, #tpu.memory_space<hbm>>
    tpu.wait_dma2 semaphore(%arg7 : memref<!tpu.dma_semaphore, #tpu.memory_space<semaphore_mem>>) src(%arg5 : memref<32x1024xf32, #tpu.memory_space<vmem>>) dst(%dma_wait3A_507 : memref<32x1024xf32, #tpu.memory_space<hbm>>)
    %add3A_508 = arith.constant 160 : i32
    %add3A_509 = arith.addi %mul3A_2, %add3A_508 : i32
    %dma_wait3A_510 = arith.constant 3 : i32
    %dma_wait3A_511 = arith.constant 0 : i32
    %dma_wait3A_512 = tpu.memref_slice %arg3[%dma_wait3A_510, %add3A_509, %dma_wait3A_511] : memref<4x8192x1024xf32, #tpu.memory_space<hbm>> -> memref<1x32x1024xf32, #tpu.memory_space<hbm>>
    %dma_wait3A_513 = tpu.memref_squeeze %dma_wait3A_512 : memref<1x32x1024xf32, #tpu.memory_space<hbm>> -> memref<32x1024xf32, #tpu.memory_space<hbm>>
    %dma_wait3A_514 = arith.constant 0 : i32
    %dma_wait3A_515 = tpu.memref_slice %arg3[%dma_wait3A_510, %add3A_509, %dma_wait3A_514] : memref<4x8192x1024xf32, #tpu.memory_space<hbm>> -> memref<1x32x1024xf32, #tpu.memory_space<hbm>>
    %dma_wait3A_516 = tpu.memref_squeeze %dma_wait3A_515 : memref<1x32x1024xf32, #tpu.memory_space<hbm>> -> memref<32x1024xf32, #tpu.memory_space<hbm>>
    tpu.wait_dma2 semaphore(%arg7 : memref<!tpu.dma_semaphore, #tpu.memory_space<semaphore_mem>>) src(%arg5 : memref<32x1024xf32, #tpu.memory_space<vmem>>) dst(%dma_wait3A_516 : memref<32x1024xf32, #tpu.memory_space<hbm>>)
    %add3A_517 = arith.constant 224 : i32
    %add3A_518 = arith.addi %mul3A_2, %add3A_517 : i32
    %dma_start3A_519 = arith.constant 0 : i32
    %dma_start3A_520 = tpu.memref_slice %arg2[%add3A_518, %dma_start3A_519] : memref<8192x1024xf32, #tpu.memory_space<hbm>> -> memref<32x1024xf32, #tpu.memory_space<hbm>>
    %dma_start3A_521 = arith.constant 0 : i32
    %dma_start3A_522 = tpu.memref_slice %arg2[%add3A_518, %dma_start3A_521] : memref<8192x1024xf32, #tpu.memory_space<hbm>> -> memref<32x1024xf32, #tpu.memory_space<hbm>>
    tpu.enqueue_dma source(%dma_start3A_522 : memref<32x1024xf32, #tpu.memory_space<hbm>>) target(%arg5 : memref<32x1024xf32, #tpu.memory_space<vmem>>) target_semaphore(%arg6 : memref<!tpu.dma_semaphore, #tpu.memory_space<semaphore_mem>>)
    %add3A_523 = arith.constant 192 : i32
    %add3A_524 = arith.addi %mul3A_2, %add3A_523 : i32
    %dma_start3A_525 = arith.constant 0 : i32
    %dma_start3A_526 = arith.constant 0 : i32
    %dma_start3A_527 = tpu.memref_slice %arg3[%dma_start3A_525, %add3A_524, %dma_start3A_526] : memref<4x8192x1024xf32, #tpu.memory_space<hbm>> -> memref<1x32x1024xf32, #tpu.memory_space<hbm>>
    %dma_start3A_528 = tpu.memref_squeeze %dma_start3A_527 : memref<1x32x1024xf32, #tpu.memory_space<hbm>> -> memref<32x1024xf32, #tpu.memory_space<hbm>>
    %dma_start3A_529 = arith.constant 0 : i32
    %dma_start3A_530 = tpu.memref_slice %arg3[%dma_start3A_525, %add3A_524, %dma_start3A_529] : memref<4x8192x1024xf32, #tpu.memory_space<hbm>> -> memref<1x32x1024xf32, #tpu.memory_space<hbm>>
    %dma_start3A_531 = tpu.memref_squeeze %dma_start3A_530 : memref<1x32x1024xf32, #tpu.memory_space<hbm>> -> memref<32x1024xf32, #tpu.memory_space<hbm>>
    tpu.enqueue_dma source(%arg4 : memref<32x1024xf32, #tpu.memory_space<vmem>>) target(%dma_start3A_531 : memref<32x1024xf32, #tpu.memory_space<hbm>>) target_semaphore(%arg7 : memref<!tpu.dma_semaphore, #tpu.memory_space<semaphore_mem>>)
    %add3A_532 = arith.constant 192 : i32
    %add3A_533 = arith.addi %mul3A_2, %add3A_532 : i32
    %dma_start3A_534 = arith.constant 1 : i32
    %dma_start3A_535 = arith.constant 0 : i32
    %dma_start3A_536 = tpu.memref_slice %arg3[%dma_start3A_534, %add3A_533, %dma_start3A_535] : memref<4x8192x1024xf32, #tpu.memory_space<hbm>> -> memref<1x32x1024xf32, #tpu.memory_space<hbm>>
    %dma_start3A_537 = tpu.memref_squeeze %dma_start3A_536 : memref<1x32x1024xf32, #tpu.memory_space<hbm>> -> memref<32x1024xf32, #tpu.memory_space<hbm>>
    %dma_start3A_538 = arith.constant 0 : i32
    %dma_start3A_539 = tpu.memref_slice %arg3[%dma_start3A_534, %add3A_533, %dma_start3A_538] : memref<4x8192x1024xf32, #tpu.memory_space<hbm>> -> memref<1x32x1024xf32, #tpu.memory_space<hbm>>
    %dma_start3A_540 = tpu.memref_squeeze %dma_start3A_539 : memref<1x32x1024xf32, #tpu.memory_space<hbm>> -> memref<32x1024xf32, #tpu.memory_space<hbm>>
    tpu.enqueue_dma source(%arg4 : memref<32x1024xf32, #tpu.memory_space<vmem>>) target(%dma_start3A_540 : memref<32x1024xf32, #tpu.memory_space<hbm>>) target_semaphore(%arg7 : memref<!tpu.dma_semaphore, #tpu.memory_space<semaphore_mem>>)
    %add3A_541 = arith.constant 192 : i32
    %add3A_542 = arith.addi %mul3A_2, %add3A_541 : i32
    %dma_start3A_543 = arith.constant 2 : i32
    %dma_start3A_544 = arith.constant 0 : i32
    %dma_start3A_545 = tpu.memref_slice %arg3[%dma_start3A_543, %add3A_542, %dma_start3A_544] : memref<4x8192x1024xf32, #tpu.memory_space<hbm>> -> memref<1x32x1024xf32, #tpu.memory_space<hbm>>
    %dma_start3A_546 = tpu.memref_squeeze %dma_start3A_545 : memref<1x32x1024xf32, #tpu.memory_space<hbm>> -> memref<32x1024xf32, #tpu.memory_space<hbm>>
    %dma_start3A_547 = arith.constant 0 : i32
    %dma_start3A_548 = tpu.memref_slice %arg3[%dma_start3A_543, %add3A_542, %dma_start3A_547] : memref<4x8192x1024xf32, #tpu.memory_space<hbm>> -> memref<1x32x1024xf32, #tpu.memory_space<hbm>>
    %dma_start3A_549 = tpu.memref_squeeze %dma_start3A_548 : memref<1x32x1024xf32, #tpu.memory_space<hbm>> -> memref<32x1024xf32, #tpu.memory_space<hbm>>
    tpu.enqueue_dma source(%arg4 : memref<32x1024xf32, #tpu.memory_space<vmem>>) target(%dma_start3A_549 : memref<32x1024xf32, #tpu.memory_space<hbm>>) target_semaphore(%arg7 : memref<!tpu.dma_semaphore, #tpu.memory_space<semaphore_mem>>)
    %add3A_550 = arith.constant 192 : i32
    %add3A_551 = arith.addi %mul3A_2, %add3A_550 : i32
    %dma_start3A_552 = arith.constant 3 : i32
    %dma_start3A_553 = arith.constant 0 : i32
    %dma_start3A_554 = tpu.memref_slice %arg3[%dma_start3A_552, %add3A_551, %dma_start3A_553] : memref<4x8192x1024xf32, #tpu.memory_space<hbm>> -> memref<1x32x1024xf32, #tpu.memory_space<hbm>>
    %dma_start3A_555 = tpu.memref_squeeze %dma_start3A_554 : memref<1x32x1024xf32, #tpu.memory_space<hbm>> -> memref<32x1024xf32, #tpu.memory_space<hbm>>
    %dma_start3A_556 = arith.constant 0 : i32
    %dma_start3A_557 = tpu.memref_slice %arg3[%dma_start3A_552, %add3A_551, %dma_start3A_556] : memref<4x8192x1024xf32, #tpu.memory_space<hbm>> -> memref<1x32x1024xf32, #tpu.memory_space<hbm>>
    %dma_start3A_558 = tpu.memref_squeeze %dma_start3A_557 : memref<1x32x1024xf32, #tpu.memory_space<hbm>> -> memref<32x1024xf32, #tpu.memory_space<hbm>>
    tpu.enqueue_dma source(%arg4 : memref<32x1024xf32, #tpu.memory_space<vmem>>) target(%dma_start3A_558 : memref<32x1024xf32, #tpu.memory_space<hbm>>) target_semaphore(%arg7 : memref<!tpu.dma_semaphore, #tpu.memory_space<semaphore_mem>>)
    %add3A_559 = arith.constant 224 : i32
    %add3A_560 = arith.addi %mul3A_2, %add3A_559 : i32
    %dma_wait3A_561 = arith.constant 0 : i32
    %dma_wait3A_562 = tpu.memref_slice %arg2[%add3A_560, %dma_wait3A_561] : memref<8192x1024xf32, #tpu.memory_space<hbm>> -> memref<32x1024xf32, #tpu.memory_space<hbm>>
    %dma_wait3A_563 = arith.constant 0 : i32
    %dma_wait3A_564 = tpu.memref_slice %arg2[%add3A_560, %dma_wait3A_563] : memref<8192x1024xf32, #tpu.memory_space<hbm>> -> memref<32x1024xf32, #tpu.memory_space<hbm>>
    tpu.wait_dma2 semaphore(%arg6 : memref<!tpu.dma_semaphore, #tpu.memory_space<semaphore_mem>>) src(%dma_wait3A_564 : memref<32x1024xf32, #tpu.memory_space<hbm>>) dst(%arg5 : memref<32x1024xf32, #tpu.memory_space<vmem>>)
    %add3A_565 = arith.constant 192 : i32
    %add3A_566 = arith.addi %mul3A_2, %add3A_565 : i32
    %dma_wait3A_567 = arith.constant 0 : i32
    %dma_wait3A_568 = arith.constant 0 : i32
    %dma_wait3A_569 = tpu.memref_slice %arg3[%dma_wait3A_567, %add3A_566, %dma_wait3A_568] : memref<4x8192x1024xf32, #tpu.memory_space<hbm>> -> memref<1x32x1024xf32, #tpu.memory_space<hbm>>
    %dma_wait3A_570 = tpu.memref_squeeze %dma_wait3A_569 : memref<1x32x1024xf32, #tpu.memory_space<hbm>> -> memref<32x1024xf32, #tpu.memory_space<hbm>>
    %dma_wait3A_571 = arith.constant 0 : i32
    %dma_wait3A_572 = tpu.memref_slice %arg3[%dma_wait3A_567, %add3A_566, %dma_wait3A_571] : memref<4x8192x1024xf32, #tpu.memory_space<hbm>> -> memref<1x32x1024xf32, #tpu.memory_space<hbm>>
    %dma_wait3A_573 = tpu.memref_squeeze %dma_wait3A_572 : memref<1x32x1024xf32, #tpu.memory_space<hbm>> -> memref<32x1024xf32, #tpu.memory_space<hbm>>
    tpu.wait_dma2 semaphore(%arg7 : memref<!tpu.dma_semaphore, #tpu.memory_space<semaphore_mem>>) src(%arg4 : memref<32x1024xf32, #tpu.memory_space<vmem>>) dst(%dma_wait3A_573 : memref<32x1024xf32, #tpu.memory_space<hbm>>)
    %add3A_574 = arith.constant 192 : i32
    %add3A_575 = arith.addi %mul3A_2, %add3A_574 : i32
    %dma_wait3A_576 = arith.constant 1 : i32
    %dma_wait3A_577 = arith.constant 0 : i32
    %dma_wait3A_578 = tpu.memref_slice %arg3[%dma_wait3A_576, %add3A_575, %dma_wait3A_577] : memref<4x8192x1024xf32, #tpu.memory_space<hbm>> -> memref<1x32x1024xf32, #tpu.memory_space<hbm>>
    %dma_wait3A_579 = tpu.memref_squeeze %dma_wait3A_578 : memref<1x32x1024xf32, #tpu.memory_space<hbm>> -> memref<32x1024xf32, #tpu.memory_space<hbm>>
    %dma_wait3A_580 = arith.constant 0 : i32
    %dma_wait3A_581 = tpu.memref_slice %arg3[%dma_wait3A_576, %add3A_575, %dma_wait3A_580] : memref<4x8192x1024xf32, #tpu.memory_space<hbm>> -> memref<1x32x1024xf32, #tpu.memory_space<hbm>>
    %dma_wait3A_582 = tpu.memref_squeeze %dma_wait3A_581 : memref<1x32x1024xf32, #tpu.memory_space<hbm>> -> memref<32x1024xf32, #tpu.memory_space<hbm>>
    tpu.wait_dma2 semaphore(%arg7 : memref<!tpu.dma_semaphore, #tpu.memory_space<semaphore_mem>>) src(%arg4 : memref<32x1024xf32, #tpu.memory_space<vmem>>) dst(%dma_wait3A_582 : memref<32x1024xf32, #tpu.memory_space<hbm>>)
    %add3A_583 = arith.constant 192 : i32
    %add3A_584 = arith.addi %mul3A_2, %add3A_583 : i32
    %dma_wait3A_585 = arith.constant 2 : i32
    %dma_wait3A_586 = arith.constant 0 : i32
    %dma_wait3A_587 = tpu.memref_slice %arg3[%dma_wait3A_585, %add3A_584, %dma_wait3A_586] : memref<4x8192x1024xf32, #tpu.memory_space<hbm>> -> memref<1x32x1024xf32, #tpu.memory_space<hbm>>
    %dma_wait3A_588 = tpu.memref_squeeze %dma_wait3A_587 : memref<1x32x1024xf32, #tpu.memory_space<hbm>> -> memref<32x1024xf32, #tpu.memory_space<hbm>>
    %dma_wait3A_589 = arith.constant 0 : i32
    %dma_wait3A_590 = tpu.memref_slice %arg3[%dma_wait3A_585, %add3A_584, %dma_wait3A_589] : memref<4x8192x1024xf32, #tpu.memory_space<hbm>> -> memref<1x32x1024xf32, #tpu.memory_space<hbm>>
    %dma_wait3A_591 = tpu.memref_squeeze %dma_wait3A_590 : memref<1x32x1024xf32, #tpu.memory_space<hbm>> -> memref<32x1024xf32, #tpu.memory_space<hbm>>
    tpu.wait_dma2 semaphore(%arg7 : memref<!tpu.dma_semaphore, #tpu.memory_space<semaphore_mem>>) src(%arg4 : memref<32x1024xf32, #tpu.memory_space<vmem>>) dst(%dma_wait3A_591 : memref<32x1024xf32, #tpu.memory_space<hbm>>)
    %add3A_592 = arith.constant 192 : i32
    %add3A_593 = arith.addi %mul3A_2, %add3A_592 : i32
    %dma_wait3A_594 = arith.constant 3 : i32
    %dma_wait3A_595 = arith.constant 0 : i32
    %dma_wait3A_596 = tpu.memref_slice %arg3[%dma_wait3A_594, %add3A_593, %dma_wait3A_595] : memref<4x8192x1024xf32, #tpu.memory_space<hbm>> -> memref<1x32x1024xf32, #tpu.memory_space<hbm>>
    %dma_wait3A_597 = tpu.memref_squeeze %dma_wait3A_596 : memref<1x32x1024xf32, #tpu.memory_space<hbm>> -> memref<32x1024xf32, #tpu.memory_space<hbm>>
    %dma_wait3A_598 = arith.constant 0 : i32
    %dma_wait3A_599 = tpu.memref_slice %arg3[%dma_wait3A_594, %add3A_593, %dma_wait3A_598] : memref<4x8192x1024xf32, #tpu.memory_space<hbm>> -> memref<1x32x1024xf32, #tpu.memory_space<hbm>>
    %dma_wait3A_600 = tpu.memref_squeeze %dma_wait3A_599 : memref<1x32x1024xf32, #tpu.memory_space<hbm>> -> memref<32x1024xf32, #tpu.memory_space<hbm>>
    tpu.wait_dma2 semaphore(%arg7 : memref<!tpu.dma_semaphore, #tpu.memory_space<semaphore_mem>>) src(%arg4 : memref<32x1024xf32, #tpu.memory_space<vmem>>) dst(%dma_wait3A_600 : memref<32x1024xf32, #tpu.memory_space<hbm>>)
    %add3A_601 = arith.constant 224 : i32
    %add3A_602 = arith.addi %mul3A_2, %add3A_601 : i32
    %dma_start3A_603 = arith.constant 0 : i32
    %dma_start3A_604 = arith.constant 0 : i32
    %dma_start3A_605 = tpu.memref_slice %arg3[%dma_start3A_603, %add3A_602, %dma_start3A_604] : memref<4x8192x1024xf32, #tpu.memory_space<hbm>> -> memref<1x32x1024xf32, #tpu.memory_space<hbm>>
    %dma_start3A_606 = tpu.memref_squeeze %dma_start3A_605 : memref<1x32x1024xf32, #tpu.memory_space<hbm>> -> memref<32x1024xf32, #tpu.memory_space<hbm>>
    %dma_start3A_607 = arith.constant 0 : i32
    %dma_start3A_608 = tpu.memref_slice %arg3[%dma_start3A_603, %add3A_602, %dma_start3A_607] : memref<4x8192x1024xf32, #tpu.memory_space<hbm>> -> memref<1x32x1024xf32, #tpu.memory_space<hbm>>
    %dma_start3A_609 = tpu.memref_squeeze %dma_start3A_608 : memref<1x32x1024xf32, #tpu.memory_space<hbm>> -> memref<32x1024xf32, #tpu.memory_space<hbm>>
    tpu.enqueue_dma source(%arg5 : memref<32x1024xf32, #tpu.memory_space<vmem>>) target(%dma_start3A_609 : memref<32x1024xf32, #tpu.memory_space<hbm>>) target_semaphore(%arg7 : memref<!tpu.dma_semaphore, #tpu.memory_space<semaphore_mem>>)
    %add3A_610 = arith.constant 224 : i32
    %add3A_611 = arith.addi %mul3A_2, %add3A_610 : i32
    %dma_start3A_612 = arith.constant 1 : i32
    %dma_start3A_613 = arith.constant 0 : i32
    %dma_start3A_614 = tpu.memref_slice %arg3[%dma_start3A_612, %add3A_611, %dma_start3A_613] : memref<4x8192x1024xf32, #tpu.memory_space<hbm>> -> memref<1x32x1024xf32, #tpu.memory_space<hbm>>
    %dma_start3A_615 = tpu.memref_squeeze %dma_start3A_614 : memref<1x32x1024xf32, #tpu.memory_space<hbm>> -> memref<32x1024xf32, #tpu.memory_space<hbm>>
    %dma_start3A_616 = arith.constant 0 : i32
    %dma_start3A_617 = tpu.memref_slice %arg3[%dma_start3A_612, %add3A_611, %dma_start3A_616] : memref<4x8192x1024xf32, #tpu.memory_space<hbm>> -> memref<1x32x1024xf32, #tpu.memory_space<hbm>>
    %dma_start3A_618 = tpu.memref_squeeze %dma_start3A_617 : memref<1x32x1024xf32, #tpu.memory_space<hbm>> -> memref<32x1024xf32, #tpu.memory_space<hbm>>
    tpu.enqueue_dma source(%arg5 : memref<32x1024xf32, #tpu.memory_space<vmem>>) target(%dma_start3A_618 : memref<32x1024xf32, #tpu.memory_space<hbm>>) target_semaphore(%arg7 : memref<!tpu.dma_semaphore, #tpu.memory_space<semaphore_mem>>)
    %add3A_619 = arith.constant 224 : i32
    %add3A_620 = arith.addi %mul3A_2, %add3A_619 : i32
    %dma_start3A_621 = arith.constant 2 : i32
    %dma_start3A_622 = arith.constant 0 : i32
    %dma_start3A_623 = tpu.memref_slice %arg3[%dma_start3A_621, %add3A_620, %dma_start3A_622] : memref<4x8192x1024xf32, #tpu.memory_space<hbm>> -> memref<1x32x1024xf32, #tpu.memory_space<hbm>>
    %dma_start3A_624 = tpu.memref_squeeze %dma_start3A_623 : memref<1x32x1024xf32, #tpu.memory_space<hbm>> -> memref<32x1024xf32, #tpu.memory_space<hbm>>
    %dma_start3A_625 = arith.constant 0 : i32
    %dma_start3A_626 = tpu.memref_slice %arg3[%dma_start3A_621, %add3A_620, %dma_start3A_625] : memref<4x8192x1024xf32, #tpu.memory_space<hbm>> -> memref<1x32x1024xf32, #tpu.memory_space<hbm>>
    %dma_start3A_627 = tpu.memref_squeeze %dma_start3A_626 : memref<1x32x1024xf32, #tpu.memory_space<hbm>> -> memref<32x1024xf32, #tpu.memory_space<hbm>>
    tpu.enqueue_dma source(%arg5 : memref<32x1024xf32, #tpu.memory_space<vmem>>) target(%dma_start3A_627 : memref<32x1024xf32, #tpu.memory_space<hbm>>) target_semaphore(%arg7 : memref<!tpu.dma_semaphore, #tpu.memory_space<semaphore_mem>>)
    %add3A_628 = arith.constant 224 : i32
    %add3A_629 = arith.addi %mul3A_2, %add3A_628 : i32
    %dma_start3A_630 = arith.constant 3 : i32
    %dma_start3A_631 = arith.constant 0 : i32
    %dma_start3A_632 = tpu.memref_slice %arg3[%dma_start3A_630, %add3A_629, %dma_start3A_631] : memref<4x8192x1024xf32, #tpu.memory_space<hbm>> -> memref<1x32x1024xf32, #tpu.memory_space<hbm>>
    %dma_start3A_633 = tpu.memref_squeeze %dma_start3A_632 : memref<1x32x1024xf32, #tpu.memory_space<hbm>> -> memref<32x1024xf32, #tpu.memory_space<hbm>>
    %dma_start3A_634 = arith.constant 0 : i32
    %dma_start3A_635 = tpu.memref_slice %arg3[%dma_start3A_630, %add3A_629, %dma_start3A_634] : memref<4x8192x1024xf32, #tpu.memory_space<hbm>> -> memref<1x32x1024xf32, #tpu.memory_space<hbm>>
    %dma_start3A_636 = tpu.memref_squeeze %dma_start3A_635 : memref<1x32x1024xf32, #tpu.memory_space<hbm>> -> memref<32x1024xf32, #tpu.memory_space<hbm>>
    tpu.enqueue_dma source(%arg5 : memref<32x1024xf32, #tpu.memory_space<vmem>>) target(%dma_start3A_636 : memref<32x1024xf32, #tpu.memory_space<hbm>>) target_semaphore(%arg7 : memref<!tpu.dma_semaphore, #tpu.memory_space<semaphore_mem>>)
    %add3A_637 = arith.constant 224 : i32
    %add3A_638 = arith.addi %mul3A_2, %add3A_637 : i32
    %dma_wait3A_639 = arith.constant 0 : i32
    %dma_wait3A_640 = arith.constant 0 : i32
    %dma_wait3A_641 = tpu.memref_slice %arg3[%dma_wait3A_639, %add3A_638, %dma_wait3A_640] : memref<4x8192x1024xf32, #tpu.memory_space<hbm>> -> memref<1x32x1024xf32, #tpu.memory_space<hbm>>
    %dma_wait3A_642 = tpu.memref_squeeze %dma_wait3A_641 : memref<1x32x1024xf32, #tpu.memory_space<hbm>> -> memref<32x1024xf32, #tpu.memory_space<hbm>>
    %dma_wait3A_643 = arith.constant 0 : i32
    %dma_wait3A_644 = tpu.memref_slice %arg3[%dma_wait3A_639, %add3A_638, %dma_wait3A_643] : memref<4x8192x1024xf32, #tpu.memory_space<hbm>> -> memref<1x32x1024xf32, #tpu.memory_space<hbm>>
    %dma_wait3A_645 = tpu.memref_squeeze %dma_wait3A_644 : memref<1x32x1024xf32, #tpu.memory_space<hbm>> -> memref<32x1024xf32, #tpu.memory_space<hbm>>
    tpu.wait_dma2 semaphore(%arg7 : memref<!tpu.dma_semaphore, #tpu.memory_space<semaphore_mem>>) src(%arg5 : memref<32x1024xf32, #tpu.memory_space<vmem>>) dst(%dma_wait3A_645 : memref<32x1024xf32, #tpu.memory_space<hbm>>)
    %add3A_646 = arith.constant 224 : i32
    %add3A_647 = arith.addi %mul3A_2, %add3A_646 : i32
    %dma_wait3A_648 = arith.constant 1 : i32
    %dma_wait3A_649 = arith.constant 0 : i32
    %dma_wait3A_650 = tpu.memref_slice %arg3[%dma_wait3A_648, %add3A_647, %dma_wait3A_649] : memref<4x8192x1024xf32, #tpu.memory_space<hbm>> -> memref<1x32x1024xf32, #tpu.memory_space<hbm>>
    %dma_wait3A_651 = tpu.memref_squeeze %dma_wait3A_650 : memref<1x32x1024xf32, #tpu.memory_space<hbm>> -> memref<32x1024xf32, #tpu.memory_space<hbm>>
    %dma_wait3A_652 = arith.constant 0 : i32
    %dma_wait3A_653 = tpu.memref_slice %arg3[%dma_wait3A_648, %add3A_647, %dma_wait3A_652] : memref<4x8192x1024xf32, #tpu.memory_space<hbm>> -> memref<1x32x1024xf32, #tpu.memory_space<hbm>>
    %dma_wait3A_654 = tpu.memref_squeeze %dma_wait3A_653 : memref<1x32x1024xf32, #tpu.memory_space<hbm>> -> memref<32x1024xf32, #tpu.memory_space<hbm>>
    tpu.wait_dma2 semaphore(%arg7 : memref<!tpu.dma_semaphore, #tpu.memory_space<semaphore_mem>>) src(%arg5 : memref<32x1024xf32, #tpu.memory_space<vmem>>) dst(%dma_wait3A_654 : memref<32x1024xf32, #tpu.memory_space<hbm>>)
    %add3A_655 = arith.constant 224 : i32
    %add3A_656 = arith.addi %mul3A_2, %add3A_655 : i32
    %dma_wait3A_657 = arith.constant 2 : i32
    %dma_wait3A_658 = arith.constant 0 : i32
    %dma_wait3A_659 = tpu.memref_slice %arg3[%dma_wait3A_657, %add3A_656, %dma_wait3A_658] : memref<4x8192x1024xf32, #tpu.memory_space<hbm>> -> memref<1x32x1024xf32, #tpu.memory_space<hbm>>
    %dma_wait3A_660 = tpu.memref_squeeze %dma_wait3A_659 : memref<1x32x1024xf32, #tpu.memory_space<hbm>> -> memref<32x1024xf32, #tpu.memory_space<hbm>>
    %dma_wait3A_661 = arith.constant 0 : i32
    %dma_wait3A_662 = tpu.memref_slice %arg3[%dma_wait3A_657, %add3A_656, %dma_wait3A_661] : memref<4x8192x1024xf32, #tpu.memory_space<hbm>> -> memref<1x32x1024xf32, #tpu.memory_space<hbm>>
    %dma_wait3A_663 = tpu.memref_squeeze %dma_wait3A_662 : memref<1x32x1024xf32, #tpu.memory_space<hbm>> -> memref<32x1024xf32, #tpu.memory_space<hbm>>
    tpu.wait_dma2 semaphore(%arg7 : memref<!tpu.dma_semaphore, #tpu.memory_space<semaphore_mem>>) src(%arg5 : memref<32x1024xf32, #tpu.memory_space<vmem>>) dst(%dma_wait3A_663 : memref<32x1024xf32, #tpu.memory_space<hbm>>)
    %add3A_664 = arith.constant 224 : i32
    %add3A_665 = arith.addi %mul3A_2, %add3A_664 : i32
    %dma_wait3A_666 = arith.constant 3 : i32
    %dma_wait3A_667 = arith.constant 0 : i32
    %dma_wait3A_668 = tpu.memref_slice %arg3[%dma_wait3A_666, %add3A_665, %dma_wait3A_667] : memref<4x8192x1024xf32, #tpu.memory_space<hbm>> -> memref<1x32x1024xf32, #tpu.memory_space<hbm>>
    %dma_wait3A_669 = tpu.memref_squeeze %dma_wait3A_668 : memref<1x32x1024xf32, #tpu.memory_space<hbm>> -> memref<32x1024xf32, #tpu.memory_space<hbm>>
    %dma_wait3A_670 = arith.constant 0 : i32
    %dma_wait3A_671 = tpu.memref_slice %arg3[%dma_wait3A_666, %add3A_665, %dma_wait3A_670] : memref<4x8192x1024xf32, #tpu.memory_space<hbm>> -> memref<1x32x1024xf32, #tpu.memory_space<hbm>>
    %dma_wait3A_672 = tpu.memref_squeeze %dma_wait3A_671 : memref<1x32x1024xf32, #tpu.memory_space<hbm>> -> memref<32x1024xf32, #tpu.memory_space<hbm>>
    tpu.wait_dma2 semaphore(%arg7 : memref<!tpu.dma_semaphore, #tpu.memory_space<semaphore_mem>>) src(%arg5 : memref<32x1024xf32, #tpu.memory_space<vmem>>) dst(%dma_wait3A_672 : memref<32x1024xf32, #tpu.memory_space<hbm>>)
    return
  }
}

</mosaic_0001>

<sc_bundles>
// kernel: kernel.3.cloned.1.call-start
scs
__scs_entry_jumppad:
0x0: {  	(pc) =	sbr.rel $0x88, $3  }
0x1: {  	(tag) =	ssettag $0x0;
	lr =	simm.s32 $0x1  }
0x2: {  	[smem:$0x3FA0] =	sst lr;
	_ =	strace $0xD0000000  }
0x3: {  	_ = 	snop  }
0x4: {  	_ = 	snop  }
0x5: {  	_ = 	snop  }
0x6: {  	_ = 	snop  }
0x7: {  	_ = 	snop  }
__scs_overlays_trampoline_lowered:
0x8: {  	[smem:$0x3FAF] =	sst s0  }
0x9: {  	[smem:$0x3FB0] =	sst s1  }
0xa: {  	[smem:$0x3FB1] =	sst s2  }
0xb: {  	[smem:$0x3FB2] =	sst s3  }
0xc: {  	[smem:$0x3FB3] =	sst s4  }
0xd: {  	[smem:$0x3FB4] =	sst s5  }
0xe: {  	[smem:$0x3FB5] =	sst s6  }
0xf: {  	[smem:$0x3FB6] =	sst s7  }
0x10: {  	[smem:$0x3FB7] =	sst s8  }
0x11: {  	[smem:$0x3FB8] =	sst s9;
	s0 =	simm.s32 @!p0 $0x0  }
0x12: {  	s1 =	sld [smem:$0x3F9E];
	s0 =	simm.s32 @p0 $0x1  }
0x13: {  	[smem:$0x3FB9] =	sst s0;
	s0 =	simm.s32 @!p1 $0x0  }
0x14: {  	s2 =	sld [smem:$0x3F9D];
	s0 =	simm.s32 @p1 $0x1  }
0x15: {  	[smem:$0x3FBA] =	sst s0;
	s0 =	simm.s32 @!p2 $0x0  }
0x16: {  	s3 =	sld [smem:$0x3FDB];
	s0 =	simm.s32 @p2 $0x1  }
0x17: {  	s4 =	simm.s32 $0x1BF5;
	[smem:$0x3FBC] =	sst s0  }
0x18: {  	s0 =	sld [smem:$0x3F9F];
	_ =	swait.ge [sflag:s4], $0x0  }
0x19: {  	s7 =	sld [smem:$0x3FA0]  }
0x1a: {  	s8 =	sadd.s32 $0xFFFFE003, lr  }
0x1b: {  	s9 =	sadd.s32 $0xFFFFFEF7, lr;
	s5 =	simm.s32 $0xFFFFFFFF;
	p2 =	slt.u32 s8, $0xFFFFF086  }
0x1c: {  	p1 =	slt.u32 s9, $0xF7A;
	s5 =	simm.s32 @!p2 $0x0  }
0x1d: {  	s5 =	simm.s32 @p1 $0x1;
	p0 =	seq.s32 s7, s2  }
0x1e: {  	s7 =	smul.u32 @!p0 $0xF7A, s2;
	p2 =	seq.s32 @!p0 s5, $0x0  }
0x1f: {  	s9 =	smul.u32 $0xF7A, s1;
	s8 =	simm.s32 @!p0 $0x1BF5;
	p2 =	por !p2, p0  }
0x20: {  	[sflag:s8] =	ssyncset.s32 @!p0 $0xFFFFF086;
	s6 =	sadd.s32 @!p0 s3, s7;
	s7 =	simm.s32 @!p0 $0x108  }
0x21: {  	s3 =	sadd.s32 s3, s9;
	s6 =	sadd.s32 @!p0 $0x88, s6;
	s7 =	simm.s32 @p2 $0x1082  }
0x22: {  	[simem:s7], [sflag:s8] =	dma.local @!p0 [hbm:s6], $0xF7A  }
0x23: {  	s9 =	sor.u32 $0xD0000000, s2;
	s6 =	simm.s32 $0x108;
	_ =	swait.ge @!p0 [sflag:s8], $0x0  }
0x24: {  	s3 =	sadd.s32 $0x88, s3;
	s6 =	simm.s32 @!p1 $0x1082;
	[sflag:s4] =	ssyncset.s32 $0xFFFFF086  }
0x25: {  	[simem:s6], [sflag:s4] =	dma.local [hbm:s3], $0xF7A  }
0x26: {  	[smem:$0x3FA0] =	sst s1;
	(tag) =	ssettag s2;
	_ =	strace s9  }
0x27: {  	s1 =	sld [smem:$0x3FB0]  }
0x28: {  	s2 =	sld [smem:$0x3FB1]  }
0x29: {  	s4 =	sld [smem:$0x3FB3]  }
0x2a: {  	p0 =	seq.s32 s5, $0x0;
	s5 =	sld [smem:$0x3FB4]  }
0x2b: {  	s6 =	sld [smem:$0x3FB5]  }
0x2c: {  	s7 =	sld [smem:$0x3FB6]  }
0x2d: {  	s3 =	simm.s32 $0x108;
	s8 =	sld [smem:$0x3FB7]  }
0x2e: {  	s3 =	simm.s32 @!p0 $0x1082;
	s9 =	sld [smem:$0x3FB8]  }
0x2f: {  	lr =	sadd.s32 s0, s3;
	s0 =	sld [smem:$0x3FAF]  }
0x30: {  	s3 =	sld [smem:$0x3FB2]  }
0x31: {  	[smem:$0x3FBB] =	sst s10  }
0x32: {  	s10 =	sld [smem:$0x3FB9];
	_ =	sdelay $0x3  }
0x33: {  	p0 =	seq.s32 s10, $0x1;
	s10 =	sld [smem:$0x3FBB];
	_ =	sdelay $0x3  }
0x34: {  	[smem:$0x3FBB] =	sst s10  }
0x35: {  	s10 =	sld [smem:$0x3FBA];
	_ =	sdelay $0x3  }
0x36: {  	p1 =	seq.s32 s10, $0x1;
	s10 =	sld [smem:$0x3FBB];
	_ =	sdelay $0x3  }
0x37: {  	[smem:$0x3FBB] =	sst s10  }
0x38: {  	s10 =	sld [smem:$0x3FBC]  }
0x39: {  	_ = 	snop;
	(pc) =	sbr.ind lr, $3  }
0x3a: {  	_ = 	snop  }
0x3b: {  	_ = 	snop  }
0x3c: {  	p2 =	seq.s32 s10, $0x1;
	s10 =	sld [smem:$0x3FBB]  }
0x3d: {  	_ =	shalt  }
0x3e: {  	_ =	shalt  }
0x3f: {  	_ =	shalt  }
0x40: {  	_ =	shalt  }
0x41: {  	_ =	shalt  }
0x42: {  	_ =	shalt  }
0x43: {  	_ =	shalt  }
0x44: {  	_ =	shalt  }
0x45: {  	_ =	shalt  }
0x46: {  	_ =	shalt  }
0x47: {  	_ =	shalt  }
0x48: {  	_ =	shalt  }
0x49: {  	_ =	shalt  }
0x4a: {  	_ =	shalt  }
0x4b: {  	_ =	shalt  }
0x4c: {  	_ =	shalt  }
0x4d: {  	_ =	shalt  }
0x4e: {  	_ =	shalt  }
0x4f: {  	_ =	shalt  }
0x50: {  	_ =	shalt  }
0x51: {  	_ =	shalt  }
0x52: {  	_ =	shalt  }
0x53: {  	_ =	shalt  }
0x54: {  	_ =	shalt  }
0x55: {  	_ =	shalt  }
0x56: {  	_ =	shalt  }
0x57: {  	_ =	shalt  }
0x58: {  	_ =	shalt  }
0x59: {  	_ =	shalt  }
0x5a: {  	_ =	shalt  }
0x5b: {  	_ =	shalt  }
0x5c: {  	_ =	shalt  }
0x5d: {  	_ =	shalt  }
0x5e: {  	_ =	shalt  }
0x5f: {  	_ =	shalt  }
0x60: {  	_ =	shalt  }
0x61: {  	_ =	shalt  }
0x62: {  	_ =	shalt  }
0x63: {  	_ =	shalt  }
0x64: {  	_ =	shalt  }
0x65: {  	_ =	shalt  }
0x66: {  	_ =	shalt  }
0x67: {  	_ =	shalt  }
0x68: {  	_ =	shalt  }
0x69: {  	_ =	shalt  }
0x6a: {  	_ =	shalt  }
0x6b: {  	_ =	shalt  }
0x6c: {  	_ =	shalt  }
0x6d: {  	_ =	shalt  }
0x6e: {  	_ =	shalt  }
0x6f: {  	_ =	shalt  }
0x70: {  	_ =	shalt  }
0x71: {  	_ =	shalt  }
0x72: {  	_ =	shalt  }
0x73: {  	_ =	shalt  }
0x74: {  	_ =	shalt  }
0x75: {  	_ =	shalt  }
0x76: {  	_ =	shalt  }
0x77: {  	_ =	shalt  }
0x78: {  	_ =	shalt  }
0x79: {  	_ =	shalt  }
0x7a: {  	_ =	shalt  }
0x7b: {  	_ =	shalt  }
0x7c: {  	_ =	shalt  }
0x7d: {  	_ =	shalt  }
0x7e: {  	_ =	shalt  }
0x7f: {  	_ =	shalt  }
0x80: {  	_ =	shalt  }
0x81: {  	_ =	shalt  }
0x82: {  	_ =	shalt  }
0x83: {  	_ =	shalt  }
0x84: {  	_ =	shalt  }
0x85: {  	_ =	shalt  }
0x86: {  	_ =	shalt  }
0x87: {  	_ =	shalt  }
.Lfunc_end0:
.L_simem_size_0:
called_computation_lowered:
.L_overlay_start_0:
0x88: {  	s2 =	sld [smem:$0x3FD9]  }
0x89: {  	s3 =	sld [smem:$0x3FFE];
	_ =	sdelay $0x1  }
0x8a: {  	s1 =	srdreg.scid  }
0x8b: {  	s0 =	sand.u32 $0x1, s1  }
0x8c: {  	s18 =	sshll.u32 s0, $0xA;
	s2 =	sadd.s32 s3, s2  }
0x8d: {  	s2 =	sadd.s32 s2, s18  }
0x8e: {  	[smem:$0x3FC7] =	sst s2  }
0x8f: {  	_ = 	snop  }
0x90: {  	s2 =	sld [smem:$0x3FC9]  }
0x91: {  	s19 =	sld [smem:$0x3FD0];
	(tm) =	ssettm $0x1  }
0x92: {  	s4 =	sld [smem:$0x3FFB];
	_ =	sdelay $0x3  }
0x93: {  	_ =	strace s4  }
0x94: {  	s4 =	sld [smem:$0x3FFC];
	_ =	sdelay $0x3  }
0x95: {  	_ =	strace s4  }
0x96: {  	s4 =	sld [smem:$0x3FFD];
	_ =	sdelay $0x3  }
0x97: {  	_ =	strace s4  }
0x98: {  	_ =	strace $0x8FFFFFFF  }
0x99: {  	s20 =	sld [smem:$0x3FDB];
	_ =	sdelay $0x1  }
0x9a: {  	s5 =	simm.s32 $_scs_section_size  }
0x9b: {  	s6 =	simm.s32 $_size__tile_overlayer_lowered;
	s7 =	simm.s32 $_tile_overlayer_lowered  }
0x9c: {  	s23 =	simm.s32 $0x1BFF;
	s22 =	sshll.u32 s7, $0x1;
	s4 =	sadd.s32 s5, s20  }
0x9d: {  	s8 =	simm.s32 $0x0;
	s21 =	sshll.u32 s6, $0x1;
	s6 =	sadd.s32 s22, s4  }
0x9e: {  	[timem:s8], [sflag:s23] =	dma.local [hbm:s6], s21  }
0x9f: {  	_ =	swait.ge [sflag:s23], s21  }
0xa0: {  	s5 =	ssub.s32 $0x0, s21;
	[sflag:s23] =	ssyncset.done $0x0  }
0xa1: {  	[sflag:s23] =	ssyncadd.s32 s5;
	_ =	sdelay $0x1  }
0xa2: {  	s24 =	simm.s32 $0x1B8B  }
0xa3: {  	_ =	swait.ge [sflag:s24], $0x1  }
0xa4: {  	[sflag:s24] =	ssyncset.done $0x0  }
0xa5: {  	s25 =	simm.s32 $0x1B8E;
	[sflag:s24] =	ssyncadd.s32 $0xFFFFFFFF  }
0xa6: {  	s26 =	simm.s32 $execute0_lowered;
	[smem:$0x3FD2] =	sst s25  }
0xa7: {  	s5 =	sshll.u32 s26, $0x1;
	_ =	strace $0x80000046;
	[dreg:$0x1] =	wrdreg $0xFFFFFFFF  }
0xa8: {  	s28 =	simm.s32 $_size_execute0_lowered;
	s4 =	sadd.s32 s4, s5;
	[dreg:$0x0] =	wrdreg $0x0  }
0xa9: {  	s5 =	sshll.u32 s28, $0x1;
	[dreg:$0x2] =	wrdreg s4  }
0xaa: {  	[dreg:$0x3] =	wrdreg s5  }
0xab: {  	[dreg:$0x4] =	wrdreg $0xC0  }
0xac: {  	_ =	task [dreg:s8], $0x5FFFF  }
0xad: {  	[dreg:$0x1] =	wrdreg $0xFFFFFFFF  }
0xae: {  	[dreg:$0x0] =	wrdreg $0x60  }
0xaf: {  	[dreg:$0x2] =	wrdreg s2  }
0xb0: {  	[dreg:$0x3] =	wrdreg s19  }
0xb1: {  	[dreg:$0x4] =	wrdreg $0x9  }
0xb2: {  	_ =	task.clear_ibuf [dreg:s8], $0x5FFFF;
	_ =	strace $0x90000046  }
0xb3: {  	s29 =	simm.s32 $0x9;
	_ =	strace $0x80000048  }
0xb4: {  	_ =	swait.ge [sflag:s29], $0x1  }
0xb5: {  	[sflag:s29] =	ssyncadd.s32 $0xFFFFFFFF  }
0xb6: {  	_ =	strace $0x90000048  }
0xb7: {  	_ =	sfence  }
0xb8: {  	s30 =	sld [smem:$0x0];
	_ =	sdelay $0x2  }
0xb9: {  	s31 =	sshll.u32 s1, $0xD;
	s1 =	sshrl.u32 s1, $0x2  }
0xba: {  	s3 =	sand.u32 $0x4000, s31;
	s1 =	sadd.s32 s1, s30  }
0xbb: {  	s0 =	sor.u32 s3, s0;
	s1 =	sshll.u32 s1, $0x11  }
0xbc: {  	s0 =	sor.u32 s1, s0  }
0xbd: {  	s0 =	sadd.s32 $0x8F2B, s0  }
0xbe: {  	[sflag:s0] =	ssyncadd.remote.s32 $0x1  }
0xbf: {  	_ =	sfence.sel $0xFFFF  }
0xc0: {  	[dreg:$0x0] =	wrdreg $0xFFFFFFFF;
	(pc) =	sbr.abs _section_cstart, $3  }
0xc1: {  	[dreg:$0x1] =	wrdreg $0xFFFFFFFF  }
0xc2: {  	_ =	task.clear_ibuf [dreg:s8], $0x2FFFF;
	_ =	strace $0x9FFFFFFF  }
0xc3: {  	(tm) =	ssettm $0x7FFFFFFF  }
tec
execute0_lowered:
.L_overlay_start_1:
0x0: {  	(tag) =	ssettag $0x1  }
0x1: {  	s3 =	rddreg [dreg:$0x0]  }
0x2: {  	s0 =	rddreg [dreg:$0x1]  }
0x3: {  	s1 =	srdreg.scid;
	s4 =	stileid.u32  }
0x4: {  	s2 =	simm.s32 $0x0;
	p0 =	por $0x0, $0x0;
	s1 =	sand.u32 $0x1, s1  }
0x5: {  	s4 =	sshll.u32 s4, $0x10;
	[smem:$0x7FF] =	sst s2;
	s5 =	sshll.u32 s1, $0xF  }
0x6: {  	s31 =	simm.s32 $0x1;
	_ =	strace $0x80000047;
	s8 =	sor.u32 s5, s4  }
0x7: {  	s1 =	ssub.s32 $0x2, s1;
	s5 =	sadd.s32 s3, s8;
	s6 =	sor.u32 $0x1000, s8  }
0x8: {  	s4 =	sadd.s32 s0, s8;
	[dreg:$0x3] =	wrdreg s5;
	s14 =	sadd.s32 s3, s6  }
0x9: {  	s26 =	sshrl.u32 s1, $0x1;
	s15 =	sadd.s32 $0x100000, s4;
	[dreg:$0x4] =	wrdreg s14  }
0xa: {  	s7 =	sor.u32 $0x2000, s8;
	s16 =	sadd.s32 $0x200000, s4;
	[dreg:$0x5] =	wrdreg s15  }
0xb: {  	s23 =	sor.u32 $0x3000, s8;
	s17 =	sadd.s32 $0x300000, s4;
	[dreg:$0x6] =	wrdreg s16  }
0xc: {  	s1 =	ssub.s32 s1, s26;
	s18 =	sadd.s32 s3, s7;
	[dreg:$0x7] =	wrdreg s17  }
0xd: {  	s12 =	sor.u32 $0x4000, s8;
	s19 =	sadd.s32 s0, s6;
	[dreg:$0x8] =	wrdreg s18  }
0xe: {  	s13 =	sor.u32 $0x5000, s8;
	s20 =	sadd.s32 $0x101000, s4;
	[dreg:$0x9] =	wrdreg s19  }
0xf: {  	s21 =	sadd.s32 $0x201000, s4;
	s22 =	sadd.s32 $0x301000, s4;
	[dreg:$0xa] =	wrdreg s20  }
0x10: {  	s24 =	sadd.s32 s3, s23;
	s25 =	sadd.s32 s0, s7;
	[dreg:$0xb] =	wrdreg s21  }
0x11: {  	s9 =	sadd.s32 $0x102000, s4;
	s10 =	sadd.s32 $0x202000, s4;
	[dreg:$0xc] =	wrdreg s22  }
0x12: {  	s11 =	sadd.s32 $0x302000, s4;
	s26 =	sadd.s32 s0, s23;
	[dreg:$0xd] =	wrdreg s24  }
0x13: {  	s28 =	sadd.s32 $0x103000, s4;
	s29 =	sadd.s32 $0x203000, s4;
	[dreg:$0xe] =	wrdreg s25  }
0x14: {  	s30 =	sadd.s32 $0x303000, s4;
	s23 =	sadd.s32 $0x204000, s4;
	[dreg:$0xf] =	wrdreg s9  }
0x15: {  	s5 =	sadd.s32 s0, s13;
	s1 =	smax.u32 s1, $0x1;
	[dreg:$0x10] =	wrdreg s10  }
0x16: {  	s6 =	sadd.s32 $0x207000, s4;
	s7 =	sadd.s32 $0x307000, s4;
	[dreg:$0x11] =	wrdreg s11  }
0x17: {  	s25 =	sadd.s32 s3, s12;
	s20 =	sadd.s32 s3, s13;
	s21 =	sadd.s32 s0, s12  }
0x18: {  	s22 =	sadd.s32 $0x104000, s4;
	s14 =	sor.u32 $0x6000, s8;
	s24 =	sadd.s32 $0x304000, s4  }
0x19: {  	[dreg:$0x14] =	wrdreg s5;
	s16 =	sadd.s32 $0x105000, s4;
	s18 =	sadd.s32 $0x205000, s4  }
0x1a: {  	s17 =	sor.u32 $0x7000, s8;
	s19 =	sadd.s32 $0x305000, s4;
	p1 =	sne.s32 s1, $0x1  }
.Ltmp0:
0x1b: {  	s11 =	sadd.s32 $0x106000, s4;
	s12 =	sadd.s32 $0x206000, s4;
	(pc) =	sbr.rel @!p1 .LBB2_3-.Ltmp0, $4  }
0x1c: {  	s13 =	sadd.s32 $0x306000, s4;
	s9 =	sadd.s32 $0xFFFFFFFF, s1;
	s1 =	rddreg [dreg:$0x3]  }
0x1d: {  	s8 =	simm.s32 $0x8000;
	s15 =	sadd.s32 s3, s14;
	[dreg:$0x15] =	wrdreg s16  }
0x1e: {  	s10 =	sadd.s32 s3, s17;
	s16 =	sadd.s32 s0, s14;
	s5 =	sadd.s32 s0, s17  }
0x1f: {  	s17 =	sadd.s32 $0x107000, s4;
	s3 =	simm.s32 $0x2;
	[dreg:$0x13] =	wrdreg s15  }
0x20: {  	[tilespmem:s2], [sflag:$0x1] =	stream.linear.gather [hbm4b:s1+s2], $0x8000, $0x38;
	[tilespmem:$0x10000] =	vst v63  }
0x21: {  	_ =	swait.ge [sflag:s31], $0x8000  }
0x22: {  	[sflag:s31] =	ssyncset.done $0x0  }
0x23: {  	s0 =	rddreg [dreg:$0x4];
	[sflag:s31] =	ssyncadd.s32 $0xFFFF8000  }
0x24: {  	[tilespmem:s8], [sflag:$0x1] =	stream.linear.gather [hbm4b:s0+s2], $0x8000, $0x38;
	[tilespmem:$0x10000] =	vst v63  }
0x25: {  	_ = 	snop  }
0x26: {  	[hbm4b:s4+s2] =	stream.linear.scatter [tilespmem:s2], [sflag:$0x2], $0x8000, $0x38;
	[tilespmem:$0x10000] =	vst v63  }
0x27: {  	s14 =	rddreg [dreg:$0x5]  }
0x28: {  	[hbm4b:s14+s2] =	stream.linear.scatter [tilespmem:s2], [sflag:$0x2], $0x8000, $0x38;
	[tilespmem:$0x10000] =	vst v63  }
0x29: {  	s0 =	rddreg [dreg:$0x6]  }
0x2a: {  	[hbm4b:s0+s2] =	stream.linear.scatter [tilespmem:s2], [sflag:$0x2], $0x8000, $0x38;
	[tilespmem:$0x10000] =	vst v63  }
0x2b: {  	s15 =	rddreg [dreg:$0x7]  }
0x2c: {  	[hbm4b:s15+s2] =	stream.linear.scatter [tilespmem:s2], [sflag:$0x2], $0x8000, $0x38;
	[tilespmem:$0x10000] =	vst v63  }
0x2d: {  	_ =	swait.ge [sflag:s31], $0x8000  }
0x2e: {  	[sflag:s31] =	ssyncset.done $0x0  }
0x2f: {  	[sflag:s31] =	ssyncadd.s32 $0xFFFF8000  }
0x30: {  	_ =	swait.ge [sflag:s3], $0x8000  }
0x31: {  	[sflag:s3] =	ssyncset.done $0x0  }
0x32: {  	[sflag:s3] =	ssyncadd.s32 $0xFFFF8000  }
0x33: {  	_ =	swait.ge [sflag:s3], $0x8000  }
0x34: {  	[sflag:s3] =	ssyncset.done $0x0  }
0x35: {  	[sflag:s3] =	ssyncadd.s32 $0xFFFF8000  }
0x36: {  	_ =	swait.ge [sflag:s3], $0x8000  }
0x37: {  	[sflag:s3] =	ssyncset.done $0x0  }
0x38: {  	[sflag:s3] =	ssyncadd.s32 $0xFFFF8000  }
0x39: {  	_ =	swait.ge [sflag:s3], $0x8000  }
0x3a: {  	[sflag:s3] =	ssyncset.done $0x0  }
0x3b: {  	s1 =	rddreg [dreg:$0x8];
	[sflag:s3] =	ssyncadd.s32 $0xFFFF8000  }
0x3c: {  	[tilespmem:s2], [sflag:$0x1] =	stream.linear.gather [hbm4b:s1+s2], $0x8000, $0x38;
	[tilespmem:$0x10000] =	vst v63  }
0x3d: {  	s14 =	rddreg [dreg:$0x9]  }
0x3e: {  	[hbm4b:s14+s2] =	stream.linear.scatter [tilespmem:s8], [sflag:$0x2], $0x8000, $0x38;
	[tilespmem:$0x10000] =	vst v63  }
0x3f: {  	s15 =	rddreg [dreg:$0xa]  }
0x40: {  	[hbm4b:s15+s2] =	stream.linear.scatter [tilespmem:s8], [sflag:$0x2], $0x8000, $0x38;
	[tilespmem:$0x10000] =	vst v63  }
0x41: {  	s14 =	rddreg [dreg:$0xb]  }
0x42: {  	[hbm4b:s14+s2] =	stream.linear.scatter [tilespmem:s8], [sflag:$0x2], $0x8000, $0x38;
	[tilespmem:$0x10000] =	vst v63  }
0x43: {  	s15 =	rddreg [dreg:$0xc]  }
0x44: {  	[hbm4b:s15+s2] =	stream.linear.scatter [tilespmem:s8], [sflag:$0x2], $0x8000, $0x38;
	[tilespmem:$0x10000] =	vst v63  }
0x45: {  	_ =	swait.ge [sflag:s31], $0x8000  }
0x46: {  	[sflag:s31] =	ssyncset.done $0x0  }
0x47: {  	[sflag:s31] =	ssyncadd.s32 $0xFFFF8000  }
0x48: {  	_ =	swait.ge [sflag:s3], $0x8000  }
0x49: {  	[sflag:s3] =	ssyncset.done $0x0  }
0x4a: {  	[sflag:s3] =	ssyncadd.s32 $0xFFFF8000  }
0x4b: {  	_ =	swait.ge [sflag:s3], $0x8000  }
0x4c: {  	[sflag:s3] =	ssyncset.done $0x0  }
0x4d: {  	[sflag:s3] =	ssyncadd.s32 $0xFFFF8000  }
0x4e: {  	_ =	swait.ge [sflag:s3], $0x8000  }
0x4f: {  	[sflag:s3] =	ssyncset.done $0x0  }
0x50: {  	[sflag:s3] =	ssyncadd.s32 $0xFFFF8000  }
0x51: {  	_ =	swait.ge [sflag:s3], $0x8000  }
0x52: {  	[sflag:s3] =	ssyncset.done $0x0  }
0x53: {  	s1 =	rddreg [dreg:$0xd];
	[sflag:s3] =	ssyncadd.s32 $0xFFFF8000  }
0x54: {  	[tilespmem:s8], [sflag:$0x1] =	stream.linear.gather [hbm4b:s1+s2], $0x8000, $0x38;
	[tilespmem:$0x10000] =	vst v63  }
0x55: {  	s14 =	rddreg [dreg:$0xe]  }
0x56: {  	[hbm4b:s14+s2] =	stream.linear.scatter [tilespmem:s2], [sflag:$0x2], $0x8000, $0x38;
	[tilespmem:$0x10000] =	vst v63  }
0x57: {  	s15 =	rddreg [dreg:$0xf]  }
0x58: {  	[hbm4b:s15+s2] =	stream.linear.scatter [tilespmem:s2], [sflag:$0x2], $0x8000, $0x38;
	[tilespmem:$0x10000] =	vst v63  }
0x59: {  	s14 =	rddreg [dreg:$0x10]  }
0x5a: {  	[hbm4b:s14+s2] =	stream.linear.scatter [tilespmem:s2], [sflag:$0x2], $0x8000, $0x38;
	[tilespmem:$0x10000] =	vst v63  }
0x5b: {  	s15 =	rddreg [dreg:$0x11]  }
0x5c: {  	[hbm4b:s15+s2] =	stream.linear.scatter [tilespmem:s2], [sflag:$0x2], $0x8000, $0x38;
	[tilespmem:$0x10000] =	vst v63  }
0x5d: {  	_ =	swait.ge [sflag:s31], $0x8000  }
0x5e: {  	[sflag:s31] =	ssyncset.done $0x0  }
0x5f: {  	[sflag:s31] =	ssyncadd.s32 $0xFFFF8000  }
0x60: {  	_ =	swait.ge [sflag:s3], $0x8000  }
0x61: {  	[sflag:s3] =	ssyncset.done $0x0  }
0x62: {  	[sflag:s3] =	ssyncadd.s32 $0xFFFF8000  }
0x63: {  	_ =	swait.ge [sflag:s3], $0x8000  }
0x64: {  	[sflag:s3] =	ssyncset.done $0x0  }
0x65: {  	[sflag:s3] =	ssyncadd.s32 $0xFFFF8000  }
0x66: {  	_ =	swait.ge [sflag:s3], $0x8000  }
0x67: {  	[sflag:s3] =	ssyncset.done $0x0  }
0x68: {  	[sflag:s3] =	ssyncadd.s32 $0xFFFF8000  }
0x69: {  	_ =	swait.ge [sflag:s3], $0x8000  }
0x6a: {  	[sflag:s3] =	ssyncset.done $0x0  }
0x6b: {  	[sflag:s3] =	ssyncadd.s32 $0xFFFF8000  }
0x6c: {  	[tilespmem:s2], [sflag:$0x1] =	stream.linear.gather [hbm4b:s25+s2], $0x8000, $0x38;
	[tilespmem:$0x10000] =	vst v63  }
0x6d: {  	_ = 	snop  }
0x6e: {  	[hbm4b:s26+s2] =	stream.linear.scatter [tilespmem:s8], [sflag:$0x2], $0x8000, $0x38;
	[tilespmem:$0x10000] =	vst v63  }
0x6f: {  	_ = 	snop  }
0x70: {  	[hbm4b:s28+s2] =	stream.linear.scatter [tilespmem:s8], [sflag:$0x2], $0x8000, $0x38;
	[tilespmem:$0x10000] =	vst v63  }
0x71: {  	_ = 	snop  }
0x72: {  	[hbm4b:s29+s2] =	stream.linear.scatter [tilespmem:s8], [sflag:$0x2], $0x8000, $0x38;
	[tilespmem:$0x10000] =	vst v63  }
0x73: {  	_ = 	snop  }
0x74: {  	[hbm4b:s30+s2] =	stream.linear.scatter [tilespmem:s8], [sflag:$0x2], $0x8000, $0x38;
	[tilespmem:$0x10000] =	vst v63  }
0x75: {  	_ =	swait.ge [sflag:s31], $0x8000  }
0x76: {  	[sflag:s31] =	ssyncset.done $0x0  }
0x77: {  	[sflag:s31] =	ssyncadd.s32 $0xFFFF8000  }
0x78: {  	_ =	swait.ge [sflag:s3], $0x8000  }
0x79: {  	[sflag:s3] =	ssyncset.done $0x0  }
0x7a: {  	[sflag:s3] =	ssyncadd.s32 $0xFFFF8000  }
0x7b: {  	_ =	swait.ge [sflag:s3], $0x8000  }
0x7c: {  	[sflag:s3] =	ssyncset.done $0x0  }
0x7d: {  	[sflag:s3] =	ssyncadd.s32 $0xFFFF8000  }
0x7e: {  	_ =	swait.ge [sflag:s3], $0x8000  }
0x7f: {  	[sflag:s3] =	ssyncset.done $0x0  }
0x80: {  	[sflag:s3] =	ssyncadd.s32 $0xFFFF8000  }
0x81: {  	_ =	swait.ge [sflag:s3], $0x8000  }
0x82: {  	[sflag:s3] =	ssyncset.done $0x0  }
0x83: {  	[sflag:s3] =	ssyncadd.s32 $0xFFFF8000  }
0x84: {  	[tilespmem:s8], [sflag:$0x1] =	stream.linear.gather [hbm4b:s20+s2], $0x8000, $0x38;
	[tilespmem:$0x10000] =	vst v63  }
0x85: {  	_ = 	snop  }
0x86: {  	[hbm4b:s21+s2] =	stream.linear.scatter [tilespmem:s2], [sflag:$0x2], $0x8000, $0x38;
	[tilespmem:$0x10000] =	vst v63  }
0x87: {  	_ = 	snop  }
0x88: {  	[hbm4b:s22+s2] =	stream.linear.scatter [tilespmem:s2], [sflag:$0x2], $0x8000, $0x38;
	[tilespmem:$0x10000] =	vst v63  }
0x89: {  	_ = 	snop  }
0x8a: {  	[hbm4b:s23+s2] =	stream.linear.scatter [tilespmem:s2], [sflag:$0x2], $0x8000, $0x38;
	[tilespmem:$0x10000] =	vst v63  }
0x8b: {  	_ = 	snop  }
0x8c: {  	[hbm4b:s24+s2] =	stream.linear.scatter [tilespmem:s2], [sflag:$0x2], $0x8000, $0x38;
	[tilespmem:$0x10000] =	vst v63  }
0x8d: {  	_ =	swait.ge [sflag:s31], $0x8000  }
0x8e: {  	[sflag:s31] =	ssyncset.done $0x0  }
0x8f: {  	[sflag:s31] =	ssyncadd.s32 $0xFFFF8000  }
0x90: {  	_ =	swait.ge [sflag:s3], $0x8000  }
0x91: {  	[sflag:s3] =	ssyncset.done $0x0  }
0x92: {  	[sflag:s3] =	ssyncadd.s32 $0xFFFF8000  }
0x93: {  	_ =	swait.ge [sflag:s3], $0x8000  }
0x94: {  	[sflag:s3] =	ssyncset.done $0x0  }
0x95: {  	[sflag:s3] =	ssyncadd.s32 $0xFFFF8000  }
0x96: {  	_ =	swait.ge [sflag:s3], $0x8000  }
0x97: {  	[sflag:s3] =	ssyncset.done $0x0  }
0x98: {  	[sflag:s3] =	ssyncadd.s32 $0xFFFF8000  }
0x99: {  	_ =	swait.ge [sflag:s3], $0x8000  }
0x9a: {  	[sflag:s3] =	ssyncset.done $0x0  }
0x9b: {  	s1 =	rddreg [dreg:$0x13];
	[sflag:s3] =	ssyncadd.s32 $0xFFFF8000  }
0x9c: {  	[tilespmem:s2], [sflag:$0x1] =	stream.linear.gather [hbm4b:s1+s2], $0x8000, $0x38;
	[tilespmem:$0x10000] =	vst v63  }
0x9d: {  	s14 =	rddreg [dreg:$0x14]  }
0x9e: {  	[hbm4b:s14+s2] =	stream.linear.scatter [tilespmem:s8], [sflag:$0x2], $0x8000, $0x38;
	[tilespmem:$0x10000] =	vst v63  }
0x9f: {  	s15 =	rddreg [dreg:$0x15]  }
0xa0: {  	[hbm4b:s15+s2] =	stream.linear.scatter [tilespmem:s8], [sflag:$0x2], $0x8000, $0x38;
	[tilespmem:$0x10000] =	vst v63  }
0xa1: {  	_ = 	snop  }
0xa2: {  	[hbm4b:s18+s2] =	stream.linear.scatter [tilespmem:s8], [sflag:$0x2], $0x8000, $0x38;
	[tilespmem:$0x10000] =	vst v63  }
0xa3: {  	_ = 	snop  }
0xa4: {  	[hbm4b:s19+s2] =	stream.linear.scatter [tilespmem:s8], [sflag:$0x2], $0x8000, $0x38;
	[tilespmem:$0x10000] =	vst v63  }
0xa5: {  	_ =	swait.ge [sflag:s31], $0x8000  }
0xa6: {  	[sflag:s31] =	ssyncset.done $0x0  }
0xa7: {  	[sflag:s31] =	ssyncadd.s32 $0xFFFF8000  }
0xa8: {  	_ =	swait.ge [sflag:s3], $0x8000  }
0xa9: {  	[sflag:s3] =	ssyncset.done $0x0  }
0xaa: {  	[sflag:s3] =	ssyncadd.s32 $0xFFFF8000  }
0xab: {  	_ =	swait.ge [sflag:s3], $0x8000  }
0xac: {  	[sflag:s3] =	ssyncset.done $0x0  }
0xad: {  	[sflag:s3] =	ssyncadd.s32 $0xFFFF8000  }
0xae: {  	_ =	swait.ge [sflag:s3], $0x8000  }
0xaf: {  	[sflag:s3] =	ssyncset.done $0x0  }
0xb0: {  	[sflag:s3] =	ssyncadd.s32 $0xFFFF8000  }
0xb1: {  	_ =	swait.ge [sflag:s3], $0x8000  }
0xb2: {  	[sflag:s3] =	ssyncset.done $0x0  }
0xb3: {  	[sflag:s3] =	ssyncadd.s32 $0xFFFF8000  }
0xb4: {  	[tilespmem:s8], [sflag:$0x1] =	stream.linear.gather [hbm4b:s10+s2], $0x8000, $0x38;
	[tilespmem:$0x10000] =	vst v63  }
0xb5: {  	_ = 	snop  }
0xb6: {  	[hbm4b:s16+s2] =	stream.linear.scatter [tilespmem:s2], [sflag:$0x2], $0x8000, $0x38;
	[tilespmem:$0x10000] =	vst v63  }
0xb7: {  	_ = 	snop  }
0xb8: {  	[hbm4b:s11+s2] =	stream.linear.scatter [tilespmem:s2], [sflag:$0x2], $0x8000, $0x38;
	[tilespmem:$0x10000] =	vst v63  }
0xb9: {  	_ = 	snop  }
0xba: {  	[hbm4b:s12+s2] =	stream.linear.scatter [tilespmem:s2], [sflag:$0x2], $0x8000, $0x38;
	[tilespmem:$0x10000] =	vst v63  }
0xbb: {  	_ = 	snop  }
0xbc: {  	[hbm4b:s13+s2] =	stream.linear.scatter [tilespmem:s2], [sflag:$0x2], $0x8000, $0x38;
	[tilespmem:$0x10000] =	vst v63  }
0xbd: {  	_ =	swait.ge [sflag:s31], $0x8000  }
0xbe: {  	[sflag:s31] =	ssyncset.done $0x0  }
0xbf: {  	[sflag:s31] =	ssyncadd.s32 $0xFFFF8000  }
0xc0: {  	_ =	swait.ge [sflag:s3], $0x8000  }
0xc1: {  	[sflag:s3] =	ssyncset.done $0x0  }
0xc2: {  	[sflag:s3] =	ssyncadd.s32 $0xFFFF8000  }
0xc3: {  	_ =	swait.ge [sflag:s3], $0x8000  }
0xc4: {  	[sflag:s3] =	ssyncset.done $0x0  }
0xc5: {  	[sflag:s3] =	ssyncadd.s32 $0xFFFF8000  }
0xc6: {  	_ =	swait.ge [sflag:s3], $0x8000  }
0xc7: {  	[sflag:s3] =	ssyncset.done $0x0  }
0xc8: {  	[sflag:s3] =	ssyncadd.s32 $0xFFFF8000  }
0xc9: {  	_ =	swait.ge [sflag:s3], $0x8000  }
0xca: {  	[sflag:s3] =	ssyncset.done $0x0  }
0xcb: {  	[sflag:s3] =	ssyncadd.s32 $0xFFFF8000  }
0xcc: {  	[hbm4b:s5+s2] =	stream.linear.scatter [tilespmem:s8], [sflag:$0x2], $0x8000, $0x38;
	[tilespmem:$0x10000] =	vst v63  }
0xcd: {  	_ = 	snop  }
0xce: {  	[hbm4b:s17+s2] =	stream.linear.scatter [tilespmem:s8], [sflag:$0x2], $0x8000, $0x38;
	[tilespmem:$0x10000] =	vst v63  }
0xcf: {  	_ = 	snop  }
0xd0: {  	[hbm4b:s6+s2] =	stream.linear.scatter [tilespmem:s8], [sflag:$0x2], $0x8000, $0x38;
	[tilespmem:$0x10000] =	vst v63  }
0xd1: {  	_ = 	snop  }
0xd2: {  	[hbm4b:s7+s2] =	stream.linear.scatter [tilespmem:s8], [sflag:$0x2], $0x8000, $0x38;
	[tilespmem:$0x10000] =	vst v63  }
0xd3: {  	_ =	swait.ge [sflag:s3], $0x8000  }
0xd4: {  	[sflag:s3] =	ssyncset.done $0x0  }
0xd5: {  	[sflag:s3] =	ssyncadd.s32 $0xFFFF8000  }
0xd6: {  	_ =	swait.ge [sflag:s3], $0x8000  }
0xd7: {  	[sflag:s3] =	ssyncset.done $0x0  }
0xd8: {  	p1 =	sne.s32 s9, $0x1;
	[sflag:s3] =	ssyncadd.s32 $0xFFFF8000  }
.Ltmp1:
0xd9: {  	_ =	swait.ge [sflag:s3], $0x8000;
	(pc) =	sbr.rel @!p1 .LBB2_3-.Ltmp1, $4  }
0xda: {  	[sflag:s3] =	ssyncset.done $0x0  }
0xdb: {  	[sflag:s3] =	ssyncadd.s32 $0xFFFF8000  }
0xdc: {  	p0 =	por $0x1, $0x1;
	_ =	swait.ge [sflag:s3], $0x8000;
	[dreg:$0x12] =	wrdreg s4  }
0xdd: {  	s0 =	sadd.s32 $0xFFFFFFFF, s9;
	s1 =	rddreg [dreg:$0x3];
	[sflag:s3] =	ssyncset.done $0x0  }
.LBB2_2:
0xde: {  	[sflag:s3] =	ssyncadd.s32 $0xFFFF8000  }
0xdf: {  	[tilespmem:s2], [sflag:$0x1] =	stream.linear.gather [hbm4b:s1+s2], $0x8000, $0x38;
	[tilespmem:$0x10000] =	vst v63  }
0xe0: {  	_ =	swait.ge [sflag:s31], $0x8000  }
0xe1: {  	[sflag:s31] =	ssyncset.done $0x0  }
0xe2: {  	s15 =	rddreg [dreg:$0x4];
	[sflag:s31] =	ssyncadd.s32 $0xFFFF8000  }
0xe3: {  	[tilespmem:s8], [sflag:$0x1] =	stream.linear.gather [hbm4b:s15+s2], $0x8000, $0x38;
	[tilespmem:$0x10000] =	vst v63  }
0xe4: {  	s1 =	rddreg [dreg:$0x5];
	s8 =	smov.u32 s30;
	s30 =	smov.u32 s29  }
0xe5: {  	s29 =	smov.u32 s28;
	s28 =	smov.u32 s26;
	s26 =	smov.u32 s25  }
0xe6: {  	[hbm4b:s4+s2] =	stream.linear.scatter [tilespmem:s2], [sflag:$0x2], $0x8000, $0x38;
	[tilespmem:$0x10000] =	vst v63  }
0xe7: {  	s25 =	smov.u32 s24;
	s24 =	smov.u32 s23;
	s23 =	smov.u32 s22  }
0xe8: {  	[hbm4b:s1+s2] =	stream.linear.scatter [tilespmem:s2], [sflag:$0x2], $0x8000, $0x38;
	[tilespmem:$0x10000] =	vst v63  }
0xe9: {  	s22 =	smov.u32 s21;
	s21 =	smov.u32 s20;
	s20 =	rddreg [dreg:$0x6]  }
0xea: {  	[hbm4b:s20+s2] =	stream.linear.scatter [tilespmem:s2], [sflag:$0x2], $0x8000, $0x38;
	[tilespmem:$0x10000] =	vst v63  }
0xeb: {  	s9 =	smov.u32 s7;
	s7 =	smov.u32 s6;
	s6 =	rddreg [dreg:$0x7]  }
0xec: {  	[hbm4b:s6+s2] =	stream.linear.scatter [tilespmem:s2], [sflag:$0x2], $0x8000, $0x38;
	[tilespmem:$0x10000] =	vst v63  }
0xed: {  	_ =	swait.ge [sflag:s31], $0x8000  }
0xee: {  	[sflag:s31] =	ssyncset.done $0x0  }
0xef: {  	[sflag:s31] =	ssyncadd.s32 $0xFFFF8000  }
0xf0: {  	_ =	swait.ge [sflag:s3], $0x8000  }
0xf1: {  	[sflag:s3] =	ssyncset.done $0x0  }
0xf2: {  	[sflag:s3] =	ssyncadd.s32 $0xFFFF8000  }
0xf3: {  	_ =	swait.ge [sflag:s3], $0x8000  }
0xf4: {  	[sflag:s3] =	ssyncset.done $0x0  }
0xf5: {  	[sflag:s3] =	ssyncadd.s32 $0xFFFF8000  }
0xf6: {  	_ =	swait.ge [sflag:s3], $0x8000  }
0xf7: {  	[sflag:s3] =	ssyncset.done $0x0  }
0xf8: {  	[sflag:s3] =	ssyncadd.s32 $0xFFFF8000  }
0xf9: {  	_ =	swait.ge [sflag:s3], $0x8000  }
0xfa: {  	s15 =	smov.u32 s13;
	s13 =	smov.u32 s12;
	[sflag:s3] =	ssyncset.done $0x0  }
0xfb: {  	s12 =	smov.u32 s11;
	s11 =	rddreg [dreg:$0x8];
	[sflag:s3] =	ssyncadd.s32 $0xFFFF8000  }
0xfc: {  	[tilespmem:s2], [sflag:$0x1] =	stream.linear.gather [hbm4b:s11+s2], $0x8000, $0x38;
	[tilespmem:$0x10000] =	vst v63  }
0xfd: {  	s14 =	simm.s32 $0x8000;
	s20 =	rddreg [dreg:$0x9]  }
0xfe: {  	[hbm4b:s20+s2] =	stream.linear.scatter [tilespmem:s14], [sflag:$0x2], $0x8000, $0x38;
	[tilespmem:$0x10000] =	vst v63  }
0xff: {  	s6 =	rddreg [dreg:$0xa]  }
0x100: {  	[hbm4b:s6+s2] =	stream.linear.scatter [tilespmem:s14], [sflag:$0x2], $0x8000, $0x38;
	[tilespmem:$0x10000] =	vst v63  }
0x101: {  	s11 =	rddreg [dreg:$0xb]  }
0x102: {  	[hbm4b:s11+s2] =	stream.linear.scatter [tilespmem:s14], [sflag:$0x2], $0x8000, $0x38;
	[tilespmem:$0x10000] =	vst v63  }
0x103: {  	s20 =	rddreg [dreg:$0xc]  }
0x104: {  	[hbm4b:s20+s2] =	stream.linear.scatter [tilespmem:s14], [sflag:$0x2], $0x8000, $0x38;
	[tilespmem:$0x10000] =	vst v63  }
0x105: {  	_ =	swait.ge [sflag:s31], $0x8000  }
0x106: {  	[sflag:s31] =	ssyncset.done $0x0  }
0x107: {  	[sflag:s31] =	ssyncadd.s32 $0xFFFF8000  }
0x108: {  	_ =	swait.ge [sflag:s3], $0x8000  }
0x109: {  	[sflag:s3] =	ssyncset.done $0x0  }
0x10a: {  	[sflag:s3] =	ssyncadd.s32 $0xFFFF8000  }
0x10b: {  	_ =	swait.ge [sflag:s3], $0x8000  }
0x10c: {  	[sflag:s3] =	ssyncset.done $0x0  }
0x10d: {  	[sflag:s3] =	ssyncadd.s32 $0xFFFF8000  }
0x10e: {  	_ =	swait.ge [sflag:s3], $0x8000  }
0x10f: {  	[sflag:s3] =	ssyncset.done $0x0  }
0x110: {  	[sflag:s3] =	ssyncadd.s32 $0xFFFF8000  }
0x111: {  	_ =	swait.ge [sflag:s3], $0x8000  }
0x112: {  	s6 =	rddreg [dreg:$0xd]  }
0x113: {  	s11 =	rddreg [dreg:$0xe]  }
0x114: {  	[sflag:s3] =	ssyncset.done $0x0;
	s20 =	rddreg [dreg:$0x10]  }
0x115: {  	s1 =	rddreg [dreg:$0x11];
	[sflag:s3] =	ssyncadd.s32 $0xFFFF8000  }
0x116: {  	[tilespmem:s14], [sflag:$0x1] =	stream.linear.gather [hbm4b:s6+s2], $0x8000, $0x38;
	[tilespmem:$0x10000] =	vst v63  }
0x117: {  	s4 =	rddreg [dreg:$0x12]  }
0x118: {  	[hbm4b:s11+s2] =	stream.linear.scatter [tilespmem:s2], [sflag:$0x2], $0x8000, $0x38;
	[tilespmem:$0x10000] =	vst v63  }
0x119: {  	s14 =	rddreg [dreg:$0xf]  }
0x11a: {  	[hbm4b:s14+s2] =	stream.linear.scatter [tilespmem:s2], [sflag:$0x2], $0x8000, $0x38;
	[tilespmem:$0x10000] =	vst v63  }
0x11b: {  	s6 =	smov.u32 s17;
	s17 =	rddreg [dreg:$0x15]  }
0x11c: {  	[hbm4b:s20+s2] =	stream.linear.scatter [tilespmem:s2], [sflag:$0x2], $0x8000, $0x38;
	[tilespmem:$0x10000] =	vst v63  }
0x11d: {  	s11 =	smov.u32 s16;
	s16 =	rddreg [dreg:$0x14];
	s14 =	smov.u32 s5  }
0x11e: {  	[hbm4b:s1+s2] =	stream.linear.scatter [tilespmem:s2], [sflag:$0x2], $0x8000, $0x38;
	[tilespmem:$0x10000] =	vst v63  }
0x11f: {  	s5 =	smov.u32 s10;
	s10 =	rddreg [dreg:$0x13];
	_ =	swait.ge [sflag:s31], $0x8000  }
0x120: {  	[sflag:s31] =	ssyncset.done $0x0  }
0x121: {  	[sflag:s31] =	ssyncadd.s32 $0xFFFF8000  }
0x122: {  	_ =	swait.ge [sflag:s3], $0x8000  }
0x123: {  	[sflag:s3] =	ssyncset.done $0x0  }
0x124: {  	[sflag:s3] =	ssyncadd.s32 $0xFFFF8000  }
0x125: {  	_ =	swait.ge [sflag:s3], $0x8000  }
0x126: {  	[sflag:s3] =	ssyncset.done $0x0  }
0x127: {  	[sflag:s3] =	ssyncadd.s32 $0xFFFF8000  }
0x128: {  	_ =	swait.ge [sflag:s3], $0x8000  }
0x129: {  	[sflag:s3] =	ssyncset.done $0x0  }
0x12a: {  	s20 =	smov.u32 s21;
	s21 =	smov.u32 s22;
	[sflag:s3] =	ssyncadd.s32 $0xFFFF8000  }
0x12b: {  	s22 =	smov.u32 s23;
	s23 =	smov.u32 s24;
	_ =	swait.ge [sflag:s3], $0x8000  }
0x12c: {  	s24 =	smov.u32 s25;
	s25 =	smov.u32 s26;
	[sflag:s3] =	ssyncset.done $0x0  }
0x12d: {  	s26 =	smov.u32 s28;
	s28 =	smov.u32 s29;
	[sflag:s3] =	ssyncadd.s32 $0xFFFF8000  }
0x12e: {  	[tilespmem:s2], [sflag:$0x1] =	stream.linear.gather [hbm4b:s25+s2], $0x8000, $0x38;
	[tilespmem:$0x10000] =	vst v63  }
0x12f: {  	s29 =	smov.u32 s30;
	s30 =	smov.u32 s8;
	s8 =	simm.s32 $0x8000  }
0x130: {  	[hbm4b:s26+s2] =	stream.linear.scatter [tilespmem:s8], [sflag:$0x2], $0x8000, $0x38;
	[tilespmem:$0x10000] =	vst v63  }
0x131: {  	_ = 	snop  }
0x132: {  	[hbm4b:s28+s2] =	stream.linear.scatter [tilespmem:s8], [sflag:$0x2], $0x8000, $0x38;
	[tilespmem:$0x10000] =	vst v63  }
0x133: {  	_ = 	snop  }
0x134: {  	[hbm4b:s29+s2] =	stream.linear.scatter [tilespmem:s8], [sflag:$0x2], $0x8000, $0x38;
	[tilespmem:$0x10000] =	vst v63  }
0x135: {  	_ = 	snop  }
0x136: {  	[hbm4b:s30+s2] =	stream.linear.scatter [tilespmem:s8], [sflag:$0x2], $0x8000, $0x38;
	[tilespmem:$0x10000] =	vst v63  }
0x137: {  	_ =	swait.ge [sflag:s31], $0x8000  }
0x138: {  	[sflag:s31] =	ssyncset.done $0x0  }
0x139: {  	[sflag:s31] =	ssyncadd.s32 $0xFFFF8000  }
0x13a: {  	_ =	swait.ge [sflag:s3], $0x8000  }
0x13b: {  	[sflag:s3] =	ssyncset.done $0x0  }
0x13c: {  	[sflag:s3] =	ssyncadd.s32 $0xFFFF8000  }
0x13d: {  	_ =	swait.ge [sflag:s3], $0x8000  }
0x13e: {  	[sflag:s3] =	ssyncset.done $0x0  }
0x13f: {  	[sflag:s3] =	ssyncadd.s32 $0xFFFF8000  }
0x140: {  	_ =	swait.ge [sflag:s3], $0x8000  }
0x141: {  	[sflag:s3] =	ssyncset.done $0x0  }
0x142: {  	[sflag:s3] =	ssyncadd.s32 $0xFFFF8000  }
0x143: {  	_ =	swait.ge [sflag:s3], $0x8000  }
0x144: {  	[sflag:s3] =	ssyncset.done $0x0  }
0x145: {  	[sflag:s3] =	ssyncadd.s32 $0xFFFF8000  }
0x146: {  	[tilespmem:s8], [sflag:$0x1] =	stream.linear.gather [hbm4b:s20+s2], $0x8000, $0x38;
	[tilespmem:$0x10000] =	vst v63  }
0x147: {  	_ = 	snop  }
0x148: {  	[hbm4b:s21+s2] =	stream.linear.scatter [tilespmem:s2], [sflag:$0x2], $0x8000, $0x38;
	[tilespmem:$0x10000] =	vst v63  }
0x149: {  	_ = 	snop  }
0x14a: {  	[hbm4b:s22+s2] =	stream.linear.scatter [tilespmem:s2], [sflag:$0x2], $0x8000, $0x38;
	[tilespmem:$0x10000] =	vst v63  }
0x14b: {  	_ = 	snop  }
0x14c: {  	[hbm4b:s23+s2] =	stream.linear.scatter [tilespmem:s2], [sflag:$0x2], $0x8000, $0x38;
	[tilespmem:$0x10000] =	vst v63  }
0x14d: {  	_ = 	snop  }
0x14e: {  	[hbm4b:s24+s2] =	stream.linear.scatter [tilespmem:s2], [sflag:$0x2], $0x8000, $0x38;
	[tilespmem:$0x10000] =	vst v63  }
0x14f: {  	_ =	swait.ge [sflag:s31], $0x8000  }
0x150: {  	[sflag:s31] =	ssyncset.done $0x0  }
0x151: {  	[sflag:s31] =	ssyncadd.s32 $0xFFFF8000  }
0x152: {  	_ =	swait.ge [sflag:s3], $0x8000  }
0x153: {  	[sflag:s3] =	ssyncset.done $0x0  }
0x154: {  	[sflag:s3] =	ssyncadd.s32 $0xFFFF8000  }
0x155: {  	_ =	swait.ge [sflag:s3], $0x8000  }
0x156: {  	[sflag:s3] =	ssyncset.done $0x0  }
0x157: {  	[sflag:s3] =	ssyncadd.s32 $0xFFFF8000  }
0x158: {  	_ =	swait.ge [sflag:s3], $0x8000  }
0x159: {  	[sflag:s3] =	ssyncset.done $0x0  }
0x15a: {  	[sflag:s3] =	ssyncadd.s32 $0xFFFF8000  }
0x15b: {  	_ =	swait.ge [sflag:s3], $0x8000  }
0x15c: {  	[sflag:s3] =	ssyncset.done $0x0  }
0x15d: {  	[sflag:s3] =	ssyncadd.s32 $0xFFFF8000  }
0x15e: {  	[tilespmem:s2], [sflag:$0x1] =	stream.linear.gather [hbm4b:s10+s2], $0x8000, $0x38;
	[tilespmem:$0x10000] =	vst v63  }
0x15f: {  	_ = 	snop  }
0x160: {  	[hbm4b:s16+s2] =	stream.linear.scatter [tilespmem:s8], [sflag:$0x2], $0x8000, $0x38;
	[tilespmem:$0x10000] =	vst v63  }
0x161: {  	_ = 	snop  }
0x162: {  	[hbm4b:s17+s2] =	stream.linear.scatter [tilespmem:s8], [sflag:$0x2], $0x8000, $0x38;
	[tilespmem:$0x10000] =	vst v63  }
0x163: {  	_ = 	snop  }
0x164: {  	[hbm4b:s18+s2] =	stream.linear.scatter [tilespmem:s8], [sflag:$0x2], $0x8000, $0x38;
	[tilespmem:$0x10000] =	vst v63  }
0x165: {  	_ = 	snop  }
0x166: {  	[hbm4b:s19+s2] =	stream.linear.scatter [tilespmem:s8], [sflag:$0x2], $0x8000, $0x38;
	[tilespmem:$0x10000] =	vst v63  }
0x167: {  	_ =	swait.ge [sflag:s31], $0x8000  }
0x168: {  	[sflag:s31] =	ssyncset.done $0x0  }
0x169: {  	[sflag:s31] =	ssyncadd.s32 $0xFFFF8000  }
0x16a: {  	_ =	swait.ge [sflag:s3], $0x8000  }
0x16b: {  	[sflag:s3] =	ssyncset.done $0x0  }
0x16c: {  	[sflag:s3] =	ssyncadd.s32 $0xFFFF8000  }
0x16d: {  	_ =	swait.ge [sflag:s3], $0x8000  }
0x16e: {  	[sflag:s3] =	ssyncset.done $0x0  }
0x16f: {  	[sflag:s3] =	ssyncadd.s32 $0xFFFF8000  }
0x170: {  	_ =	swait.ge [sflag:s3], $0x8000  }
0x171: {  	[sflag:s3] =	ssyncset.done $0x0  }
0x172: {  	[sflag:s3] =	ssyncadd.s32 $0xFFFF8000  }
0x173: {  	_ =	swait.ge [sflag:s3], $0x8000  }
0x174: {  	[sflag:s3] =	ssyncset.done $0x0  }
0x175: {  	[sflag:s3] =	ssyncadd.s32 $0xFFFF8000  }
0x176: {  	[tilespmem:s8], [sflag:$0x1] =	stream.linear.gather [hbm4b:s5+s2], $0x8000, $0x38;
	[tilespmem:$0x10000] =	vst v63  }
0x177: {  	_ = 	snop  }
0x178: {  	[hbm4b:s11+s2] =	stream.linear.scatter [tilespmem:s2], [sflag:$0x2], $0x8000, $0x38;
	[tilespmem:$0x10000] =	vst v63  }
0x179: {  	_ = 	snop  }
0x17a: {  	[hbm4b:s12+s2] =	stream.linear.scatter [tilespmem:s2], [sflag:$0x2], $0x8000, $0x38;
	[tilespmem:$0x10000] =	vst v63  }
0x17b: {  	_ = 	snop  }
0x17c: {  	[hbm4b:s13+s2] =	stream.linear.scatter [tilespmem:s2], [sflag:$0x2], $0x8000, $0x38;
	[tilespmem:$0x10000] =	vst v63  }
0x17d: {  	_ = 	snop  }
0x17e: {  	[hbm4b:s15+s2] =	stream.linear.scatter [tilespmem:s2], [sflag:$0x2], $0x8000, $0x38;
	[tilespmem:$0x10000] =	vst v63  }
0x17f: {  	_ =	swait.ge [sflag:s31], $0x8000  }
0x180: {  	[sflag:s31] =	ssyncset.done $0x0  }
0x181: {  	[sflag:s31] =	ssyncadd.s32 $0xFFFF8000  }
0x182: {  	_ =	swait.ge [sflag:s3], $0x8000  }
0x183: {  	[sflag:s3] =	ssyncset.done $0x0  }
0x184: {  	[sflag:s3] =	ssyncadd.s32 $0xFFFF8000  }
0x185: {  	_ =	swait.ge [sflag:s3], $0x8000  }
0x186: {  	[sflag:s3] =	ssyncset.done $0x0  }
0x187: {  	[sflag:s3] =	ssyncadd.s32 $0xFFFF8000  }
0x188: {  	_ =	swait.ge [sflag:s3], $0x8000  }
0x189: {  	[sflag:s3] =	ssyncset.done $0x0  }
0x18a: {  	[sflag:s3] =	ssyncadd.s32 $0xFFFF8000  }
0x18b: {  	_ =	swait.ge [sflag:s3], $0x8000  }
0x18c: {  	[sflag:s3] =	ssyncset.done $0x0  }
0x18d: {  	[sflag:s3] =	ssyncadd.s32 $0xFFFF8000  }
0x18e: {  	[hbm4b:s14+s2] =	stream.linear.scatter [tilespmem:s8], [sflag:$0x2], $0x8000, $0x38;
	[tilespmem:$0x10000] =	vst v63  }
0x18f: {  	_ = 	snop  }
0x190: {  	[hbm4b:s6+s2] =	stream.linear.scatter [tilespmem:s8], [sflag:$0x2], $0x8000, $0x38;
	[tilespmem:$0x10000] =	vst v63  }
0x191: {  	_ = 	snop  }
0x192: {  	[hbm4b:s7+s2] =	stream.linear.scatter [tilespmem:s8], [sflag:$0x2], $0x8000, $0x38;
	[tilespmem:$0x10000] =	vst v63  }
0x193: {  	_ = 	snop  }
0x194: {  	[hbm4b:s9+s2] =	stream.linear.scatter [tilespmem:s8], [sflag:$0x2], $0x8000, $0x38;
	[tilespmem:$0x10000] =	vst v63  }
0x195: {  	_ =	swait.ge [sflag:s3], $0x8000  }
0x196: {  	[sflag:s3] =	ssyncset.done $0x0  }
0x197: {  	[sflag:s3] =	ssyncadd.s32 $0xFFFF8000  }
0x198: {  	_ =	swait.ge [sflag:s3], $0x8000  }
0x199: {  	p1 =	sne.s32 s0, $0x1;
	[sflag:s3] =	ssyncset.done $0x0  }
0x19a: {  	s0 =	sadd.s32 $0xFFFFFFFF, s0;
	s10 =	smov.u32 s5;
	[sflag:s3] =	ssyncadd.s32 $0xFFFF8000  }
.Ltmp2:
0x19b: {  	s16 =	smov.u32 s11;
	_ =	swait.ge [sflag:s3], $0x8000;
	(pc) =	sbr.rel @p1 .LBB2_2-.Ltmp2, $4  }
0x19c: {  	s17 =	smov.u32 s6;
	s5 =	smov.u32 s14;
	[sflag:s3] =	ssyncset.done $0x0  }
0x19d: {  	s11 =	smov.u32 s12;
	s12 =	smov.u32 s13;
	[sflag:s3] =	ssyncadd.s32 $0xFFFF8000  }
0x19e: {  	s13 =	smov.u32 s15;
	s6 =	smov.u32 s7;
	_ =	swait.ge [sflag:s3], $0x8000  }
0x19f: {  	s7 =	smov.u32 s9;
	s1 =	rddreg [dreg:$0x3];
	[sflag:s3] =	ssyncset.done $0x0  }
.LBB2_3:
0x1a0: {  	[sflag:s3] =	ssyncadd.s32 @p0 $0xFFFF8000  }
0x1a1: {  	[tilespmem:s2], [sflag:$0x1] =	stream.linear.gather [hbm4b:s1+s2], $0x8000, $0x38;
	[tilespmem:$0x10000] =	vst v63  }
0x1a2: {  	_ =	swait.ge [sflag:s31], $0x8000  }
0x1a3: {  	[sflag:s31] =	ssyncset.done $0x0  }
0x1a4: {  	s0 =	rddreg [dreg:$0x4];
	[sflag:s31] =	ssyncadd.s32 $0xFFFF8000  }
0x1a5: {  	[tilespmem:s8], [sflag:$0x1] =	stream.linear.gather [hbm4b:s0+s2], $0x8000, $0x38;
	[tilespmem:$0x10000] =	vst v63  }
0x1a6: {  	_ = 	snop  }
0x1a7: {  	[hbm4b:s4+s2] =	stream.linear.scatter [tilespmem:s2], [sflag:$0x2], $0x8000, $0x38;
	[tilespmem:$0x10000] =	vst v63  }
0x1a8: {  	s9 =	rddreg [dreg:$0x5]  }
0x1a9: {  	[hbm4b:s9+s2] =	stream.linear.scatter [tilespmem:s2], [sflag:$0x2], $0x8000, $0x38;
	[tilespmem:$0x10000] =	vst v63  }
0x1aa: {  	s14 =	rddreg [dreg:$0x6]  }
0x1ab: {  	[hbm4b:s14+s2] =	stream.linear.scatter [tilespmem:s2], [sflag:$0x2], $0x8000, $0x38;
	[tilespmem:$0x10000] =	vst v63  }
0x1ac: {  	s15 =	rddreg [dreg:$0x7]  }
0x1ad: {  	[hbm4b:s15+s2] =	stream.linear.scatter [tilespmem:s2], [sflag:$0x2], $0x8000, $0x38;
	[tilespmem:$0x10000] =	vst v63  }
0x1ae: {  	_ =	swait.ge [sflag:s31], $0x8000  }
0x1af: {  	[sflag:s31] =	ssyncset.done $0x0  }
0x1b0: {  	[sflag:s31] =	ssyncadd.s32 $0xFFFF8000  }
0x1b1: {  	_ =	swait.ge [sflag:s3], $0x8000  }
0x1b2: {  	[sflag:s3] =	ssyncset.done $0x0  }
0x1b3: {  	[sflag:s3] =	ssyncadd.s32 $0xFFFF8000  }
0x1b4: {  	_ =	swait.ge [sflag:s3], $0x8000  }
0x1b5: {  	[sflag:s3] =	ssyncset.done $0x0  }
0x1b6: {  	[sflag:s3] =	ssyncadd.s32 $0xFFFF8000  }
0x1b7: {  	_ =	swait.ge [sflag:s3], $0x8000  }
0x1b8: {  	[sflag:s3] =	ssyncset.done $0x0  }
0x1b9: {  	[sflag:s3] =	ssyncadd.s32 $0xFFFF8000  }
0x1ba: {  	_ =	swait.ge [sflag:s3], $0x8000  }
0x1bb: {  	[sflag:s3] =	ssyncset.done $0x0  }
0x1bc: {  	s1 =	rddreg [dreg:$0x8];
	[sflag:s3] =	ssyncadd.s32 $0xFFFF8000  }
0x1bd: {  	[tilespmem:s2], [sflag:$0x1] =	stream.linear.gather [hbm4b:s1+s2], $0x8000, $0x38;
	[tilespmem:$0x10000] =	vst v63  }
0x1be: {  	s4 =	rddreg [dreg:$0x9]  }
0x1bf: {  	[hbm4b:s4+s2] =	stream.linear.scatter [tilespmem:s8], [sflag:$0x2], $0x8000, $0x38;
	[tilespmem:$0x10000] =	vst v63  }
0x1c0: {  	s9 =	rddreg [dreg:$0xa]  }
0x1c1: {  	[hbm4b:s9+s2] =	stream.linear.scatter [tilespmem:s8], [sflag:$0x2], $0x8000, $0x38;
	[tilespmem:$0x10000] =	vst v63  }
0x1c2: {  	s14 =	rddreg [dreg:$0xb]  }
0x1c3: {  	[hbm4b:s14+s2] =	stream.linear.scatter [tilespmem:s8], [sflag:$0x2], $0x8000, $0x38;
	[tilespmem:$0x10000] =	vst v63  }
0x1c4: {  	s15 =	rddreg [dreg:$0xc]  }
0x1c5: {  	[hbm4b:s15+s2] =	stream.linear.scatter [tilespmem:s8], [sflag:$0x2], $0x8000, $0x38;
	[tilespmem:$0x10000] =	vst v63  }
0x1c6: {  	_ =	swait.ge [sflag:s31], $0x8000  }
0x1c7: {  	[sflag:s31] =	ssyncset.done $0x0  }
0x1c8: {  	[sflag:s31] =	ssyncadd.s32 $0xFFFF8000  }
0x1c9: {  	_ =	swait.ge [sflag:s3], $0x8000  }
0x1ca: {  	[sflag:s3] =	ssyncset.done $0x0  }
0x1cb: {  	[sflag:s3] =	ssyncadd.s32 $0xFFFF8000  }
0x1cc: {  	_ =	swait.ge [sflag:s3], $0x8000  }
0x1cd: {  	[sflag:s3] =	ssyncset.done $0x0  }
0x1ce: {  	[sflag:s3] =	ssyncadd.s32 $0xFFFF8000  }
0x1cf: {  	_ =	swait.ge [sflag:s3], $0x8000  }
0x1d0: {  	[sflag:s3] =	ssyncset.done $0x0  }
0x1d1: {  	[sflag:s3] =	ssyncadd.s32 $0xFFFF8000  }
0x1d2: {  	_ =	swait.ge [sflag:s3], $0x8000  }
0x1d3: {  	[sflag:s3] =	ssyncset.done $0x0  }
0x1d4: {  	s1 =	rddreg [dreg:$0xd];
	[sflag:s3] =	ssyncadd.s32 $0xFFFF8000  }
0x1d5: {  	[tilespmem:s8], [sflag:$0x1] =	stream.linear.gather [hbm4b:s1+s2], $0x8000, $0x38;
	[tilespmem:$0x10000] =	vst v63  }
0x1d6: {  	s4 =	rddreg [dreg:$0xe]  }
0x1d7: {  	[hbm4b:s4+s2] =	stream.linear.scatter [tilespmem:s2], [sflag:$0x2], $0x8000, $0x38;
	[tilespmem:$0x10000] =	vst v63  }
0x1d8: {  	s9 =	rddreg [dreg:$0xf]  }
0x1d9: {  	[hbm4b:s9+s2] =	stream.linear.scatter [tilespmem:s2], [sflag:$0x2], $0x8000, $0x38;
	[tilespmem:$0x10000] =	vst v63  }
0x1da: {  	s14 =	rddreg [dreg:$0x10]  }
0x1db: {  	[hbm4b:s14+s2] =	stream.linear.scatter [tilespmem:s2], [sflag:$0x2], $0x8000, $0x38;
	[tilespmem:$0x10000] =	vst v63  }
0x1dc: {  	s15 =	rddreg [dreg:$0x11]  }
0x1dd: {  	[hbm4b:s15+s2] =	stream.linear.scatter [tilespmem:s2], [sflag:$0x2], $0x8000, $0x38;
	[tilespmem:$0x10000] =	vst v63  }
0x1de: {  	_ =	swait.ge [sflag:s31], $0x8000  }
0x1df: {  	[sflag:s31] =	ssyncset.done $0x0  }
0x1e0: {  	[sflag:s31] =	ssyncadd.s32 $0xFFFF8000  }
0x1e1: {  	_ =	swait.ge [sflag:s3], $0x8000  }
0x1e2: {  	[sflag:s3] =	ssyncset.done $0x0  }
0x1e3: {  	[sflag:s3] =	ssyncadd.s32 $0xFFFF8000  }
0x1e4: {  	_ =	swait.ge [sflag:s3], $0x8000  }
0x1e5: {  	[sflag:s3] =	ssyncset.done $0x0  }
0x1e6: {  	[sflag:s3] =	ssyncadd.s32 $0xFFFF8000  }
0x1e7: {  	_ =	swait.ge [sflag:s3], $0x8000  }
0x1e8: {  	[sflag:s3] =	ssyncset.done $0x0  }
0x1e9: {  	[sflag:s3] =	ssyncadd.s32 $0xFFFF8000  }
0x1ea: {  	_ =	swait.ge [sflag:s3], $0x8000  }
0x1eb: {  	[sflag:s3] =	ssyncset.done $0x0  }
0x1ec: {  	[sflag:s3] =	ssyncadd.s32 $0xFFFF8000  }
0x1ed: {  	[tilespmem:s2], [sflag:$0x1] =	stream.linear.gather [hbm4b:s25+s2], $0x8000, $0x38;
	[tilespmem:$0x10000] =	vst v63  }
0x1ee: {  	_ = 	snop  }
0x1ef: {  	[hbm4b:s26+s2] =	stream.linear.scatter [tilespmem:s8], [sflag:$0x2], $0x8000, $0x38;
	[tilespmem:$0x10000] =	vst v63  }
0x1f0: {  	_ = 	snop  }
0x1f1: {  	[hbm4b:s28+s2] =	stream.linear.scatter [tilespmem:s8], [sflag:$0x2], $0x8000, $0x38;
	[tilespmem:$0x10000] =	vst v63  }
0x1f2: {  	_ = 	snop  }
0x1f3: {  	[hbm4b:s29+s2] =	stream.linear.scatter [tilespmem:s8], [sflag:$0x2], $0x8000, $0x38;
	[tilespmem:$0x10000] =	vst v63  }
0x1f4: {  	_ = 	snop  }
0x1f5: {  	[hbm4b:s30+s2] =	stream.linear.scatter [tilespmem:s8], [sflag:$0x2], $0x8000, $0x38;
	[tilespmem:$0x10000] =	vst v63  }
0x1f6: {  	_ =	swait.ge [sflag:s31], $0x8000  }
0x1f7: {  	[sflag:s31] =	ssyncset.done $0x0  }
0x1f8: {  	[sflag:s31] =	ssyncadd.s32 $0xFFFF8000  }
0x1f9: {  	_ =	swait.ge [sflag:s3], $0x8000  }
0x1fa: {  	[sflag:s3] =	ssyncset.done $0x0  }
0x1fb: {  	[sflag:s3] =	ssyncadd.s32 $0xFFFF8000  }
0x1fc: {  	_ =	swait.ge [sflag:s3], $0x8000  }
0x1fd: {  	[sflag:s3] =	ssyncset.done $0x0  }
0x1fe: {  	[sflag:s3] =	ssyncadd.s32 $0xFFFF8000  }
0x1ff: {  	_ =	swait.ge [sflag:s3], $0x8000  }
0x200: {  	[sflag:s3] =	ssyncset.done $0x0  }
0x201: {  	[sflag:s3] =	ssyncadd.s32 $0xFFFF8000  }
0x202: {  	_ =	swait.ge [sflag:s3], $0x8000  }
0x203: {  	[sflag:s3] =	ssyncset.done $0x0  }
0x204: {  	[sflag:s3] =	ssyncadd.s32 $0xFFFF8000  }
0x205: {  	[tilespmem:s8], [sflag:$0x1] =	stream.linear.gather [hbm4b:s20+s2], $0x8000, $0x38;
	[tilespmem:$0x10000] =	vst v63  }
0x206: {  	_ = 	snop  }
0x207: {  	[hbm4b:s21+s2] =	stream.linear.scatter [tilespmem:s2], [sflag:$0x2], $0x8000, $0x38;
	[tilespmem:$0x10000] =	vst v63  }
0x208: {  	_ = 	snop  }
0x209: {  	[hbm4b:s22+s2] =	stream.linear.scatter [tilespmem:s2], [sflag:$0x2], $0x8000, $0x38;
	[tilespmem:$0x10000] =	vst v63  }
0x20a: {  	_ = 	snop  }
0x20b: {  	[hbm4b:s23+s2] =	stream.linear.scatter [tilespmem:s2], [sflag:$0x2], $0x8000, $0x38;
	[tilespmem:$0x10000] =	vst v63  }
0x20c: {  	_ = 	snop  }
0x20d: {  	[hbm4b:s24+s2] =	stream.linear.scatter [tilespmem:s2], [sflag:$0x2], $0x8000, $0x38;
	[tilespmem:$0x10000] =	vst v63  }
0x20e: {  	_ =	swait.ge [sflag:s31], $0x8000  }
0x20f: {  	[sflag:s31] =	ssyncset.done $0x0  }
0x210: {  	[sflag:s31] =	ssyncadd.s32 $0xFFFF8000  }
0x211: {  	_ =	swait.ge [sflag:s3], $0x8000  }
0x212: {  	[sflag:s3] =	ssyncset.done $0x0  }
0x213: {  	[sflag:s3] =	ssyncadd.s32 $0xFFFF8000  }
0x214: {  	_ =	swait.ge [sflag:s3], $0x8000  }
0x215: {  	[sflag:s3] =	ssyncset.done $0x0  }
0x216: {  	[sflag:s3] =	ssyncadd.s32 $0xFFFF8000  }
0x217: {  	_ =	swait.ge [sflag:s3], $0x8000  }
0x218: {  	[sflag:s3] =	ssyncset.done $0x0  }
0x219: {  	[sflag:s3] =	ssyncadd.s32 $0xFFFF8000  }
0x21a: {  	_ =	swait.ge [sflag:s3], $0x8000  }
0x21b: {  	[sflag:s3] =	ssyncset.done $0x0  }
0x21c: {  	s28 =	rddreg [dreg:$0x13];
	[sflag:s3] =	ssyncadd.s32 $0xFFFF8000  }
0x21d: {  	[tilespmem:s2], [sflag:$0x1] =	stream.linear.gather [hbm4b:s28+s2], $0x8000, $0x38;
	[tilespmem:$0x10000] =	vst v63  }
0x21e: {  	s29 =	rddreg [dreg:$0x14]  }
0x21f: {  	[hbm4b:s29+s2] =	stream.linear.scatter [tilespmem:s8], [sflag:$0x2], $0x8000, $0x38;
	[tilespmem:$0x10000] =	vst v63  }
0x220: {  	s30 =	rddreg [dreg:$0x15]  }
0x221: {  	[hbm4b:s30+s2] =	stream.linear.scatter [tilespmem:s8], [sflag:$0x2], $0x8000, $0x38;
	[tilespmem:$0x10000] =	vst v63  }
0x222: {  	_ = 	snop  }
0x223: {  	[hbm4b:s18+s2] =	stream.linear.scatter [tilespmem:s8], [sflag:$0x2], $0x8000, $0x38;
	[tilespmem:$0x10000] =	vst v63  }
0x224: {  	_ = 	snop  }
0x225: {  	[hbm4b:s19+s2] =	stream.linear.scatter [tilespmem:s8], [sflag:$0x2], $0x8000, $0x38;
	[tilespmem:$0x10000] =	vst v63  }
0x226: {  	_ =	swait.ge [sflag:s31], $0x8000  }
0x227: {  	[sflag:s31] =	ssyncset.done $0x0  }
0x228: {  	[sflag:s31] =	ssyncadd.s32 $0xFFFF8000  }
0x229: {  	_ =	swait.ge [sflag:s3], $0x8000  }
0x22a: {  	[sflag:s3] =	ssyncset.done $0x0  }
0x22b: {  	[sflag:s3] =	ssyncadd.s32 $0xFFFF8000  }
0x22c: {  	_ =	swait.ge [sflag:s3], $0x8000  }
0x22d: {  	[sflag:s3] =	ssyncset.done $0x0  }
0x22e: {  	[sflag:s3] =	ssyncadd.s32 $0xFFFF8000  }
0x22f: {  	_ =	swait.ge [sflag:s3], $0x8000  }
0x230: {  	[sflag:s3] =	ssyncset.done $0x0  }
0x231: {  	[sflag:s3] =	ssyncadd.s32 $0xFFFF8000  }
0x232: {  	_ =	swait.ge [sflag:s3], $0x8000  }
0x233: {  	[sflag:s3] =	ssyncset.done $0x0  }
0x234: {  	[sflag:s3] =	ssyncadd.s32 $0xFFFF8000  }
0x235: {  	[tilespmem:s8], [sflag:$0x1] =	stream.linear.gather [hbm4b:s10+s2], $0x8000, $0x38;
	[tilespmem:$0x10000] =	vst v63  }
0x236: {  	_ = 	snop  }
0x237: {  	[hbm4b:s16+s2] =	stream.linear.scatter [tilespmem:s2], [sflag:$0x2], $0x8000, $0x38;
	[tilespmem:$0x10000] =	vst v63  }
0x238: {  	_ = 	snop  }
0x239: {  	[hbm4b:s11+s2] =	stream.linear.scatter [tilespmem:s2], [sflag:$0x2], $0x8000, $0x38;
	[tilespmem:$0x10000] =	vst v63  }
0x23a: {  	_ = 	snop  }
0x23b: {  	[hbm4b:s12+s2] =	stream.linear.scatter [tilespmem:s2], [sflag:$0x2], $0x8000, $0x38;
	[tilespmem:$0x10000] =	vst v63  }
0x23c: {  	_ = 	snop  }
0x23d: {  	[hbm4b:s13+s2] =	stream.linear.scatter [tilespmem:s2], [sflag:$0x2], $0x8000, $0x38;
	[tilespmem:$0x10000] =	vst v63  }
0x23e: {  	_ =	swait.ge [sflag:s31], $0x8000  }
0x23f: {  	[sflag:s31] =	ssyncset.done $0x0  }
0x240: {  	[sflag:s31] =	ssyncadd.s32 $0xFFFF8000  }
0x241: {  	_ =	swait.ge [sflag:s3], $0x8000  }
0x242: {  	[sflag:s3] =	ssyncset.done $0x0  }
0x243: {  	[sflag:s3] =	ssyncadd.s32 $0xFFFF8000  }
0x244: {  	_ =	swait.ge [sflag:s3], $0x8000  }
0x245: {  	[sflag:s3] =	ssyncset.done $0x0  }
0x246: {  	[sflag:s3] =	ssyncadd.s32 $0xFFFF8000  }
0x247: {  	_ =	swait.ge [sflag:s3], $0x8000  }
0x248: {  	[sflag:s3] =	ssyncset.done $0x0  }
0x249: {  	[sflag:s3] =	ssyncadd.s32 $0xFFFF8000  }
0x24a: {  	_ =	swait.ge [sflag:s3], $0x8000  }
0x24b: {  	[sflag:s3] =	ssyncset.done $0x0  }
0x24c: {  	[sflag:s3] =	ssyncadd.s32 $0xFFFF8000  }
0x24d: {  	[hbm4b:s5+s2] =	stream.linear.scatter [tilespmem:s8], [sflag:$0x2], $0x8000, $0x38;
	[tilespmem:$0x10000] =	vst v63  }
0x24e: {  	_ = 	snop  }
0x24f: {  	[hbm4b:s17+s2] =	stream.linear.scatter [tilespmem:s8], [sflag:$0x2], $0x8000, $0x38;
	[tilespmem:$0x10000] =	vst v63  }
0x250: {  	_ = 	snop  }
0x251: {  	[hbm4b:s6+s2] =	stream.linear.scatter [tilespmem:s8], [sflag:$0x2], $0x8000, $0x38;
	[tilespmem:$0x10000] =	vst v63  }
0x252: {  	_ = 	snop  }
0x253: {  	[hbm4b:s7+s2] =	stream.linear.scatter [tilespmem:s8], [sflag:$0x2], $0x8000, $0x38;
	[tilespmem:$0x10000] =	vst v63  }
0x254: {  	_ =	swait.ge [sflag:s3], $0x8000  }
0x255: {  	[sflag:s3] =	ssyncset.done $0x0  }
0x256: {  	[sflag:s3] =	ssyncadd.s32 $0xFFFF8000  }
0x257: {  	_ =	swait.ge [sflag:s3], $0x8000  }
0x258: {  	[sflag:s3] =	ssyncset.done $0x0  }
0x259: {  	[sflag:s3] =	ssyncadd.s32 $0xFFFF8000  }
0x25a: {  	_ =	swait.ge [sflag:s3], $0x8000  }
0x25b: {  	[sflag:s3] =	ssyncset.done $0x0  }
0x25c: {  	[sflag:s3] =	ssyncadd.s32 $0xFFFF8000  }
0x25d: {  	_ =	swait.ge [sflag:s3], $0x8000  }
0x25e: {  	[sflag:s3] =	ssyncset.done $0x0  }
0x25f: {  	[sflag:s3] =	ssyncadd.s32 $0xFFFF8000  }
0x260: {  	_ =	sfence.sel $0x180000  }
0x261: {  	[bflag:$0x0] =	sbarrier.arrive $0xFFFF  }
0x262: {  	_ =	strace $0x90000047  }
0x263: {  	s31 =	stileid.u32;
	[bflag:$0x2] =	sbarrier.arrive $0xFFFF  }
0x264: {  	p0 =	sne.s32 s31, $0x0;
	s0 =	rddreg [dreg:$0x2]  }
0x265: {  	s0 =	sadd.s32 @!p0 $0x100000, s0  }
0x266: {  	[sflag:s0] =	ssyncadd.tile.s32 @!p0 $0x1;
	_ =	shalt  }
.Lfunc_end2:
_tile_overlayer_lowered:
.L_overlay_start_2:
0x267: {  	(tag) =	ssettag $0x2  }
0x268: {  	s0 =	rddreg [dreg:$0x0];
	s2 =	stileid.u32  }
0x269: {  	s1 =	rddreg [dreg:$0x1];
	p0 =	sne.s32 s2, $0x0  }
0x26a: {  	s3 =	rddreg [dreg:$0x2];
	[bflag:$0x3] =	sbarrier.arrive $0xFFFF;
	s2 =	simm.s32 @!p0 $0x1C03  }
0x26b: {  	[timem:s3], [sflag:s2] =	dma.local @!p0 [hbm:s0], s1  }
0x26c: {  	s0 =	simm.s32 @!p0 $0x3  }
0x26d: {  	_ =	swait.ge @!p0 [sflag:s0], s1  }
0x26e: {  	s1 =	ssub.s32 @!p0 $0x0, s1;
	[sflag:s0] =	ssyncset.done @!p0 $0x0  }
0x26f: {  	[sflag:s0] =	ssyncadd.s32 @!p0 s1  }
0x270: {  	[bflag:$0x3] =	sbarrier.arrive $0xFFFF  }
0x271: {  	_ =	shalt  }

</sc_bundles>
